<compile_context>
chip_gen: v7x
topology: tpu7x:2x2x1
jax: 0.10.2.dev20260603
libtpu: 0.0.44.dev20260713+nightly
codegen_flags: <defaults>
</compile_context>

<pallas_src>
import functools
import jax
import jax.numpy as jnp
from jax import lax
from jax.experimental import pallas as pl
from jax.experimental.pallas import tpu as pltpu
from jax.experimental.pallas import tpu_sc as plsc

D = 118
DP = 128
HH, WW = 16, 44
HWP = HH * WW
NCAM = 6
PP = NCAM * DP * HWP
NCHUNK = PP // 2048
NBINS = 40000
NBA = NBINS + 16
ACC = NBA * 2
_mesh = plsc.VectorSubcoreMesh(core_axis_name="c", subcore_axis_name="s")



def _conv_taps(xs, wt, scale, bias, bn):
    T, K, N = xs.shape
    M = wt.shape[1]

    def body(x_ref, w_ref, s_ref, b_ref, o_ref):
        t = pl.program_id(1)
        acc = jnp.dot(w_ref[0], x_ref[0], preferred_element_type=jnp.float32)

        @pl.when(t == 0)
        def _():
            o_ref[...] = acc

        @pl.when(t > 0)
        def _():
            o_ref[...] = o_ref[...] + acc

        @pl.when(t == T - 1)
        def _():
            o_ref[...] = jnp.maximum(o_ref[...] * s_ref[...] + b_ref[...], 0.0)

    return pl.pallas_call(
        body,
        grid=(N // bn, T),
        in_specs=[
            pl.BlockSpec((1, K, bn), lambda n, t: (t, 0, n)),
            pl.BlockSpec((1, M, K), lambda n, t: (t, 0, 0)),
            pl.BlockSpec((M, 1), lambda n, t: (0, 0)),
            pl.BlockSpec((M, 1), lambda n, t: (0, 0)),
        ],
        out_specs=pl.BlockSpec((M, bn), lambda n, t: (0, n)),
        out_shape=jax.ShapeDtypeStruct((M, N), jnp.float32),
    )(xs, wt, scale, bias)


def _im2col(x, stride):
    C, H, W = x.shape
    Ho = H // stride if stride > 1 else H
    Wo = W // stride if stride > 1 else W
    xp = jnp.pad(x, ((0, 0), (1, 1), (1, 1)))
    taps = []
    for dy in range(3):
        for dx in range(3):
            v = xp[:, dy:dy + stride * (Ho - 1) + 1:stride,
                   dx:dx + stride * (Wo - 1) + 1:stride]
            taps.append(v.reshape(C, Ho * Wo))
    return jnp.stack(taps), Ho, Wo


def _enc_layer(x, w, g, b, stride, bn):
    C = x.shape[0]
    O = w.shape[0]
    xs, Ho, Wo = _im2col(x, stride)
    N = Ho * Wo
    npad = ((N + bn - 1) // bn) * bn
    xs = jnp.pad(xs, ((0, 0), (0, 0), (0, npad - N)))
    wt = w.transpose(2, 3, 0, 1).reshape(9, O, C)
    scale = (g / jnp.sqrt(1.0 + 1e-5)).reshape(O, 1)
    bias = b.reshape(O, 1)
    y = _conv_taps(xs, wt, scale, bias, bn)
    return y[:, :N].reshape(O, Ho, Wo)



def _depth_geom(h6, w2a, b2a, w2b, b2b):
    def body(h_ref, wa_ref, ba_ref, wb_ref, bb_ref, dep_ref, ctx_ref):
        h = h_ref[0]
        o1 = jnp.dot(wa_ref[...], h, preferred_element_type=jnp.float32) + ba_ref[...]
        ctx = jnp.dot(wb_ref[...], h, preferred_element_type=jnp.float32) + bb_ref[...]
        ctx_ref[0] = ctx
        m = jnp.max(o1, axis=0, keepdims=True)
        e = jnp.exp(o1 - m)
        dep_ref[0] = e / jnp.sum(e, axis=0, keepdims=True)

    return pl.pallas_call(
        body,
        grid=(NCAM,),
        in_specs=[
            pl.BlockSpec((1, 512, HWP), lambda n: (n, 0, 0)),
            pl.BlockSpec((D, 512), lambda n: (0, 0)),
            pl.BlockSpec((D, 1), lambda n: (0, 0)),
            pl.BlockSpec((64, 512), lambda n: (0, 0)),
            pl.BlockSpec((64, 1), lambda n: (0, 0)),
        ],
        out_specs=[
            pl.BlockSpec((1, D, HWP), lambda n: (n, 0, 0)),
            pl.BlockSpec((1, 64, HWP), lambda n: (n, 0, 0)),
        ],
        out_shape=[
            jax.ShapeDtypeStruct((NCAM, D, HWP), jnp.float32),
            jax.ShapeDtypeStruct((NCAM, 64, HWP), jnp.float32),
        ],
    )(h6, w2a, b2a, w2b, b2b)



def _lift(ctx4, dval):
    def body(c_ref, d_ref, o_ref):
        c2 = c_ref[0, 0]
        dv = d_ref[0]
        o_ref[0, 0, 0] = c2[0:1, :] * dv
        o_ref[0, 1, 0] = c2[1:2, :] * dv

    return pl.pallas_call(
        body,
        grid=(32, NCAM, 2),
        in_specs=[
            pl.BlockSpec((1, 1, 2, HWP), lambda t, n, dt: (n, t, 0, 0)),
            pl.BlockSpec((1, 64, HWP), lambda t, n, dt: (n, dt, 0)),
        ],
        out_specs=pl.BlockSpec((1, 2, 1, 64, HWP), lambda t, n, dt: (t, 0, n, dt, 0)),
        out_shape=jax.ShapeDtypeStruct((32, 2, NCAM, DP, HWP), jnp.float32),
    )(ctx4, dval)



@functools.partial(
    pl.kernel, mesh=_mesh,
    compiler_params=pltpu.CompilerParams(needs_layout_passes=False),
    out_type=jax.ShapeDtypeStruct((32, ACC), jnp.float32),
    scratch_types=[pltpu.VMEM((ACC,), jnp.float32),
                   pltpu.VMEM((2, 2048), jnp.float32),
                   pltpu.VMEM((2048,), jnp.int32)],
)
def _scatter(vals_hbm, idx_hbm, out_hbm, acc, vbuf, ibuf):
    cid = lax.axis_index("c")
    sid = lax.axis_index("s")
    t = sid * 2 + cid
    z = jnp.zeros((16,), jnp.float32)

    def zb(i, c):
        acc[pl.ds(i * 16, 16)] = z
        return c
    lax.fori_loop(0, ACC // 16, zb, 0)

    def cb(kk, c):
        pltpu.sync_copy(vals_hbm.at[t, :, pl.ds(kk * 2048, 2048)], vbuf)
        pltpu.sync_copy(idx_hbm.at[pl.ds(kk * 2048, 2048)], ibuf)

        def gb(g, cc):
            iv = ibuf[pl.ds(g * 16, 16)]
            a0 = iv * 2
            plsc.addupdate_scatter(acc, [a0], vbuf[0, pl.ds(g * 16, 16)])
            plsc.addupdate_scatter(acc, [a0 + 1], vbuf[1, pl.ds(g * 16, 16)])
            return cc
        lax.fori_loop(0, 128, gb, 0)
        return c
    lax.fori_loop(0, NCHUNK, cb, 0)
    pltpu.sync_copy(acc, out_hbm.at[t])



def kernel(features, intrinsics, extrinsics, params):
    B = features.shape[0]
    x = features.reshape(NCAM, 512, HH, WW)

    xp = jnp.pad(x, ((0, 0), (0, 0), (1, 1), (1, 1)))
    taps = []
    for dy in range(3):
        for dx in range(3):
            v = xp[:, :, dy:dy + HH, dx:dx + WW]
            taps.append(v.transpose(1, 0, 2, 3).reshape(512, NCAM * HWP))
    xs1 = jnp.stack(taps)
    wt1 = params['dn_w1'].transpose(2, 3, 0, 1).reshape(9, 512, 512)
    s1 = (params['dn_g1'] / jnp.sqrt(1.0 + 1e-5)).reshape(512, 1)
    bi1 = (s1[:, 0] * params['dn_b1'] + params['dn_be1']).reshape(512, 1)
    h = _conv_taps(xs1, wt1, s1, bi1, 1408)
    h6 = h.reshape(512, NCAM, HWP).transpose(1, 0, 2)

    depth_bins = jnp.arange(1.0, 60.0, 0.5, dtype=jnp.float32)
    xs = jnp.linspace(0.0, WW - 1.0, WW)
    ys = jnp.linspace(0.0, HH - 1.0, HH)
    ysg, xsg = jnp.meshgrid(ys, xs, indexing='ij')
    pix = jnp.stack([xsg, ysg, jnp.ones_like(xsg)], axis=-1)
    fc = pix[None] * depth_bins[:, None, None, None]
    k_inv = jnp.linalg.inv(intrinsics)
    fc = jnp.einsum('bnij,dhwj->bndhwi', k_inv, fc)
    rot = extrinsics[..., :3, :3]
    tr = extrinsics[..., :3, 3]
    fe = jnp.einsum('bnij,bndhwj->bndhwi', rot, fc) + tr[:, :, None, None, None, :]
    ff = fe.reshape(NCAM * D * HWP, 3)
    bxf = jnp.clip(jnp.trunc((ff[..., 0] + 50.0) / 0.5), -1e9, 1e9)
    byf = jnp.clip(jnp.trunc((ff[..., 1] + 50.0) / 0.5), -1e9, 1e9)
    bx = bxf.astype(jnp.int32)
    by = byf.astype(jnp.int32)
    valid = (bx >= 0) & (bx < 200) & (by >= 0) & (by < 200) & (ff[..., 2] > 0)
    idx0 = jnp.where(valid, by * 200 + bx, 0).reshape(NCAM, D, HWP)
    valid6 = valid.reshape(NCAM, D, HWP)
    validp = jnp.pad(valid6, ((0, 0), (0, DP - D), (0, 0)))
    idx0p = jnp.pad(idx0, ((0, 0), (0, DP - D), (0, 0)))
    trash = NBINS + (jnp.arange(HWP, dtype=jnp.int32) & 15)
    idx = jnp.where(validp, idx0p, trash[None, None, :]).astype(jnp.int32)

    w2 = params['dn_w2'].reshape(182, 512)
    b2 = params['dn_b2']
    dep, ctx = _depth_geom(
        h6, w2[:D], b2[:D].reshape(D, 1), w2[D:], b2[D:].reshape(64, 1))
    depp = jnp.pad(dep, ((0, 0), (0, DP - D), (0, 0)))
    dval = jnp.where(validp, depp, 0.0)

    vals5 = _lift(ctx.reshape(NCAM, 32, 2, HWP), dval)
    out_sc = _scatter(vals5.reshape(32, 2, PP), idx.reshape(PP))

    bev = out_sc.reshape(32, NBA, 2)[:, :NBINS, :].transpose(1, 0, 2)
    bev = bev.reshape(NBINS, 64).T.reshape(64, 200, 200)

    strides = [1, 2, 1, 2, 1, 2, 1]
    bns = [2048, 2048, 2048, 2560, 2560, 640, 640]
    hcur = bev
    for i, (s, bn) in enumerate(zip(strides, bns)):
        hcur = _enc_layer(hcur, params['e_w%d' % i], params['e_g%d' % i],
                          params['e_b%d' % i], s, bn)

    depth = dep.reshape(B, NCAM, D, HH, WW)
    return hcur[None], depth

# --- scband reference (transcript-rebuilt; emitter-appended) ---
"""Pipeline reference for scband-lift-splat-shoot-90520730731185 (READ-ONLY COPY).

The authoritative reference and input builder live on the scoring server;
editing this copy changes nothing except your own understanding.
"""

import jax, jax.numpy as jnp
import numpy as np

def conv2d(x, w, b=None, stride=1, pad=1):
    out = jax.lax.conv_general_dilated(x, w, (stride, stride), [(pad, pad), (pad, pad)], dimension_numbers=('NCHW', 'OIHW', 'NCHW'))
    if b is not None:
        out = out + b[None, :, None, None]
    return out

def bn(x, g, b, eps=1e-5):
    # eval-mode BatchNorm2d with running_mean=0, running_var=1
    return g[None, :, None, None] * x / jnp.sqrt(1.0 + eps) + b[None, :, None, None]

def setup_inputs(seed: int = 0):
    key = jax.random.key(seed)
    ks = jax.random.split(key, 16)
    features = jax.random.normal(ks[0], (1, 6, 512, 16, 44), dtype=jnp.float32)
    intrinsics = jax.random.normal(ks[1], (1, 6, 3, 3), dtype=jnp.float32)
    extrinsics = jax.random.normal(ks[2], (1, 6, 4, 4), dtype=jnp.float32)
    def w(k, shape):
        return jax.random.normal(k, shape, dtype=jnp.float32) * 0.05
    params = {
        'dn_w1': w(ks[3], (512, 512, 3, 3)), 'dn_b1': jnp.zeros((512,), jnp.float32),
        'dn_g1': jnp.ones((512,), jnp.float32), 'dn_be1': jnp.zeros((512,), jnp.float32),
        'dn_w2': w(ks[4], (182, 512, 1, 1)), 'dn_b2': jnp.zeros((182,), jnp.float32),
    }
    enc_shapes = [(128, 64), (128, 128), (256, 128), (256, 256), (256, 256), (256, 256), (256, 256)]
    for i, (o, ci) in enumerate(enc_shapes):
        params['e_w%d' % i] = w(ks[5 + i], (o, ci, 3, 3))
        params['e_g%d' % i] = jnp.ones((o,), jnp.float32)
        params['e_b%d' % i] = jnp.zeros((o,), jnp.float32)
    return {'features': features, 'intrinsics': intrinsics, 'extrinsics': extrinsics, 'params': params}

def _forward(features, intrinsics, extrinsics, params):
    B, N, C, H, W = features.shape
    D, Cc, Bh, Bw = 118, 64, 200, 200
    x = features.reshape(B * N, C, H, W)
    h = jax.nn.relu(bn(conv2d(x, params['dn_w1'], params['dn_b1'], 1, 1), params['dn_g1'], params['dn_be1']))
    out = conv2d(h, params['dn_w2'], params['dn_b2'], 1, 0)
    depth = jax.nn.softmax(out[:, :D], axis=1).reshape(B, N, D, H, W)
    context = out[:, D:].reshape(B, N, Cc, H, W)
    # create frustum
    depth_bins = jnp.arange(1.0, 60.0, 0.5, dtype=jnp.float32)
    xs = jnp.linspace(0.0, W - 1.0, W)
    ys = jnp.linspace(0.0, H - 1.0, H)
    ysg, xsg = jnp.meshgrid(ys, xs, indexing='ij')
    pix = jnp.stack([xsg, ysg, jnp.ones_like(xsg)], axis=-1)
    fc = pix[None] * depth_bins[:, None, None, None]
    K_inv = jnp.linalg.inv(intrinsics)
    fc = jnp.einsum('bnij,dhwj->bndhwi', K_inv, fc)
    R = extrinsics[..., :3, :3]
    t = extrinsics[..., :3, 3]
    fe = jnp.einsum('bnij,bndhwj->bndhwi', R, fc) + t[:, :, None, None, None, :]
    # lift
    lifted = context[:, :, None] * depth[:, :, :, None]
    lifted = jnp.transpose(lifted, (0, 1, 2, 4, 5, 3)).reshape(B, N * D * H * W, Cc)
    ff = fe.reshape(B, N * D * H * W, 3)
    bxf = jnp.clip(jnp.trunc((ff[..., 0] + 50.0) / 0.5), -1e9, 1e9)
    byf = jnp.clip(jnp.trunc((ff[..., 1] + 50.0) / 0.5), -1e9, 1e9)
    bx = bxf.astype(jnp.int32)
    by = byf.astype(jnp.int32)
    valid = (bx >= 0) & (bx < Bw) & (by >= 0) & (by < Bh) & (ff[..., 2] > 0)
    idx = jnp.where(valid, by * Bw + bx, 0)
    vals = lifted * valid[..., None].astype(lifted.dtype)
    bev = jax.vmap(lambda v, i: jnp.zeros((Bh * Bw, Cc), v.dtype).at[i].add(v))(vals, idx)
    bev = jnp.transpose(bev, (0, 2, 1)).reshape(B, Cc, Bh, Bw)
    # BEV encoder
    strides = [1, 2, 1, 2, 1, 2, 1]
    hcur = bev
    for i, s in enumerate(strides):
        hcur = jax.nn.relu(bn(conv2d(hcur, params['e_w%d' % i], None, s, 1), params['e_g%d' % i], params['e_b%d' % i]))
    return hcur, depth

def reference(features, intrinsics, extrinsics, params):
    return _forward(features, intrinsics, extrinsics, params)

if __name__ == "__main__":
    import jax
    _d = setup_inputs()
    print(jax.jit(kernel)(*tuple(_d.values())))

</pallas_src>

<mosaic_0001>
#map = affine_map<(d0, d1) -> (0, 0, 0)>
#map1 = affine_map<(d0, d1) -> (0)>
#map2 = affine_map<(d0, d1) -> (0, 0)>
module attributes {stable_mosaic.version = 14 : i64} {
  func.func @_scatter(%arg0: i32, %arg1: i32, %arg2: memref<32x2x540672xf32, #tpu.memory_space<hbm>>, %arg3: memref<540672xi32, #tpu.memory_space<hbm>>, %arg4: memref<32x80032xf32, #tpu.memory_space<hbm>>, %arg5: memref<80032xf32, #tpu.memory_space<vmem>>, %arg6: memref<2x2048xf32, #tpu.memory_space<vmem>>, %arg7: memref<2048xi32, #tpu.memory_space<vmem>>) attributes {dimension_semantics = [#tpu.dimension_semantics<core_parallel>, #tpu.dimension_semantics<subcore_parallel>], iteration_bounds = array<i64: 2, 16>, scalar_prefetch = 0 : i64, scratch_operands = 3 : i64, tpu.core_type = #tpu.core_type<sc_vector_subcore>, window_params = [{transform_indices = #map}, {transform_indices = #map1}, {transform_indices = #map2}]} {
    %mul3A = arith.constant 2 : i32
    %mul3A_0 = arith.muli %arg1, %mul3A : i32
    %add3A = arith.addi %mul3A_0, %arg0 : i32
    %broadcast_in_dim3A = arith.constant 0.000000e+00 : f32
    %broadcast_in_dim3A_1 = vector.broadcast %broadcast_in_dim3A : f32 to vector<16xf32>
    %scan3A = arith.constant 0 : i32
    %scan3A_2 = arith.constant 0 : i32
    %scan3A_3 = arith.constant 5002 : i32
    %scan3A_4 = arith.addi %scan3A_2, %scan3A_3 : i32
    %scan3A_5 = arith.constant 1 : i32
    scf.for %scan3A_13 = %scan3A_2 to %scan3A_4 step %scan3A_5  : i32 {
      %mul3A_14 = arith.constant 16 : i32
      %mul3A_15 = arith.muli %scan3A_13, %mul3A_14 : i32
      %swap3A = arith.index_cast %mul3A_15 : i32 to index
      %swap3A_16 = tpu.vector_load %arg5[%swap3A] {strides = array<i32>} : memref<80032xf32, #tpu.memory_space<vmem>>, vector<16xf32>,
      tpu.vector_store %arg5[%swap3A], %broadcast_in_dim3A_1 {strides = array<i32>} : memref<80032xf32, #tpu.memory_space<vmem>>, vector<16xf32>,
    }
    %scan3A_6 = arith.constant 5002 : i32
    %scan3A_7 = arith.constant 0 : i32
    %scan3A_8 = arith.constant 0 : i32
    %scan3A_9 = arith.constant 264 : i32
    %scan3A_10 = arith.addi %scan3A_8, %scan3A_9 : i32
    %scan3A_11 = arith.constant 1 : i32
    scf.for %scan3A_13 = %scan3A_8 to %scan3A_10 step %scan3A_11  : i32 {
      %mul3A_14 = arith.constant 2048 : i32
      %mul3A_15 = arith.muli %scan3A_13, %mul3A_14 : i32
      "tpu.region"() ({
        %run_scoped3A = tpu.sem_alloc : memref<!tpu.dma_semaphore, #tpu.memory_space<semaphore_mem>>
        %dma_start3A = arith.constant 0 : i32
        %dma_start3A_24 = tpu.memref_slice %arg2[%add3A, %dma_start3A, %mul3A_15] : memref<32x2x540672xf32, #tpu.memory_space<hbm>> -> memref<1x2x2048xf32, #tpu.memory_space<hbm>>
        %dma_start3A_25 = tpu.memref_squeeze %dma_start3A_24 : memref<1x2x2048xf32, #tpu.memory_space<hbm>> -> memref<2x2048xf32, #tpu.memory_space<hbm>>
        %dma_start3A_26 = arith.constant 0 : i32
        %dma_start3A_27 = tpu.memref_slice %arg2[%add3A, %dma_start3A_26, %mul3A_15] : memref<32x2x540672xf32, #tpu.memory_space<hbm>> -> memref<1x2x2048xf32, #tpu.memory_space<hbm>>
        %dma_start3A_28 = tpu.memref_squeeze %dma_start3A_27 : memref<1x2x2048xf32, #tpu.memory_space<hbm>> -> memref<2x2048xf32, #tpu.memory_space<hbm>>
        tpu.enqueue_dma source(%dma_start3A_28 : memref<2x2048xf32, #tpu.memory_space<hbm>>) target(%arg6 : memref<2x2048xf32, #tpu.memory_space<vmem>>) target_semaphore(%run_scoped3A : memref<!tpu.dma_semaphore, #tpu.memory_space<semaphore_mem>>)
        %dma_wait3A = arith.constant 0 : i32
        %dma_wait3A_29 = tpu.memref_slice %arg2[%add3A, %dma_wait3A, %mul3A_15] : memref<32x2x540672xf32, #tpu.memory_space<hbm>> -> memref<1x2x2048xf32, #tpu.memory_space<hbm>>
        %dma_wait3A_30 = tpu.memref_squeeze %dma_wait3A_29 : memref<1x2x2048xf32, #tpu.memory_space<hbm>> -> memref<2x2048xf32, #tpu.memory_space<hbm>>
        %dma_wait3A_31 = arith.constant 0 : i32
        %dma_wait3A_32 = tpu.memref_slice %arg2[%add3A, %dma_wait3A_31, %mul3A_15] : memref<32x2x540672xf32, #tpu.memory_space<hbm>> -> memref<1x2x2048xf32, #tpu.memory_space<hbm>>
        %dma_wait3A_33 = tpu.memref_squeeze %dma_wait3A_32 : memref<1x2x2048xf32, #tpu.memory_space<hbm>> -> memref<2x2048xf32, #tpu.memory_space<hbm>>
        tpu.wait_dma2 semaphore(%run_scoped3A : memref<!tpu.dma_semaphore, #tpu.memory_space<semaphore_mem>>) src(%dma_wait3A_33 : memref<2x2048xf32, #tpu.memory_space<hbm>>) dst(%arg6 : memref<2x2048xf32, #tpu.memory_space<vmem>>)
        tpu.yield
      }) : () -> ()
      %mul3A_16 = arith.constant 2048 : i32
      %mul3A_17 = arith.muli %scan3A_13, %mul3A_16 : i32
      "tpu.region"() ({
        %run_scoped3A = tpu.sem_alloc : memref<!tpu.dma_semaphore, #tpu.memory_space<semaphore_mem>>
        %dma_start3A = tpu.memref_slice %arg3[%mul3A_17] : memref<540672xi32, #tpu.memory_space<hbm>> -> memref<2048xi32, #tpu.memory_space<hbm>>
        %dma_start3A_24 = tpu.memref_slice %arg3[%mul3A_17] : memref<540672xi32, #tpu.memory_space<hbm>> -> memref<2048xi32, #tpu.memory_space<hbm>>
        tpu.enqueue_dma source(%dma_start3A_24 : memref<2048xi32, #tpu.memory_space<hbm>>) target(%arg7 : memref<2048xi32, #tpu.memory_space<vmem>>) target_semaphore(%run_scoped3A : memref<!tpu.dma_semaphore, #tpu.memory_space<semaphore_mem>>)
        %dma_wait3A = tpu.memref_slice %arg3[%mul3A_17] : memref<540672xi32, #tpu.memory_space<hbm>> -> memref<2048xi32, #tpu.memory_space<hbm>>
        %dma_wait3A_25 = tpu.memref_slice %arg3[%mul3A_17] : memref<540672xi32, #tpu.memory_space<hbm>> -> memref<2048xi32, #tpu.memory_space<hbm>>
        tpu.wait_dma2 semaphore(%run_scoped3A : memref<!tpu.dma_semaphore, #tpu.memory_space<semaphore_mem>>) src(%dma_wait3A_25 : memref<2048xi32, #tpu.memory_space<hbm>>) dst(%arg7 : memref<2048xi32, #tpu.memory_space<vmem>>)
        tpu.yield
      }) : () -> ()
      %scan3A_18 = arith.constant 0 : i32
      %scan3A_19 = arith.constant 0 : i32
      %scan3A_20 = arith.constant 128 : i32
      %scan3A_21 = arith.addi %scan3A_19, %scan3A_20 : i32
      %scan3A_22 = arith.constant 1 : i32
      scf.for %scan3A_24 = %scan3A_19 to %scan3A_21 step %scan3A_22  : i32 {
        %mul3A_25 = arith.constant 16 : i32
        %mul3A_26 = arith.muli %scan3A_24, %mul3A_25 : i32
        %get3A = arith.index_cast %mul3A_26 : i32 to index
        %get3A_27 = tpu.vector_load %arg7[%get3A] {strides = array<i32>} : memref<2048xi32, #tpu.memory_space<vmem>>, vector<16xi32>,
        %mul3A_28 = arith.constant 2 : i32
        %mul3A_29 = vector.broadcast %mul3A_28 : i32 to vector<16xi32>
        %mul3A_30 = arith.muli %get3A_27, %mul3A_29 : vector<16xi32>
        %mul3A_31 = arith.constant 16 : i32
        %mul3A_32 = arith.muli %scan3A_24, %mul3A_31 : i32
        %get3A_33 = arith.constant 0 : i32
        %get3A_34 = arith.index_cast %get3A_33 : i32 to index
        %get3A_35 = arith.index_cast %mul3A_32 : i32 to index
        %get3A_36 = tpu.vector_load %arg6[%get3A_34, %get3A_35] {strides = array<i32>} : memref<2x2048xf32, #tpu.memory_space<vmem>>, vector<16xf32>,
        tpu.vector_store_idx %arg5[%mul3A_30], %get3A_36 {add = true} : memref<80032xf32, #tpu.memory_space<vmem>>[vector<16xi32>], vector<16xf32>,
        %add3A_37 = arith.constant 1 : i32
        %add3A_38 = vector.broadcast %add3A_37 : i32 to vector<16xi32>
        %add3A_39 = arith.addi %mul3A_30, %add3A_38 : vector<16xi32>
        %mul3A_40 = arith.constant 16 : i32
        %mul3A_41 = arith.muli %scan3A_24, %mul3A_40 : i32
        %get3A_42 = arith.constant 1 : i32
        %get3A_43 = arith.index_cast %get3A_42 : i32 to index
        %get3A_44 = arith.index_cast %mul3A_41 : i32 to index
        %get3A_45 = tpu.vector_load %arg6[%get3A_43, %get3A_44] {strides = array<i32>} : memref<2x2048xf32, #tpu.memory_space<vmem>>, vector<16xf32>,
        tpu.vector_store_idx %arg5[%add3A_39], %get3A_45 {add = true} : memref<80032xf32, #tpu.memory_space<vmem>>[vector<16xi32>], vector<16xf32>,
      }
      %scan3A_23 = arith.constant 128 : i32
    }
    %scan3A_12 = arith.constant 264 : i32
    "tpu.region"() ({
      %run_scoped3A = tpu.sem_alloc : memref<!tpu.dma_semaphore, #tpu.memory_space<semaphore_mem>>
      %dma_start3A = arith.constant 0 : i32
      %dma_start3A_13 = tpu.memref_slice %arg4[%add3A, %dma_start3A] : memref<32x80032xf32, #tpu.memory_space<hbm>> -> memref<1x80032xf32, #tpu.memory_space<hbm>>
      %dma_start3A_14 = tpu.memref_squeeze %dma_start3A_13 : memref<1x80032xf32, #tpu.memory_space<hbm>> -> memref<80032xf32, #tpu.memory_space<hbm>>
      %dma_start3A_15 = arith.constant 0 : i32
      %dma_start3A_16 = tpu.memref_slice %arg4[%add3A, %dma_start3A_15] : memref<32x80032xf32, #tpu.memory_space<hbm>> -> memref<1x80032xf32, #tpu.memory_space<hbm>>
      %dma_start3A_17 = tpu.memref_squeeze %dma_start3A_16 : memref<1x80032xf32, #tpu.memory_space<hbm>> -> memref<80032xf32, #tpu.memory_space<hbm>>
      tpu.enqueue_dma source(%arg5 : memref<80032xf32, #tpu.memory_space<vmem>>) target(%dma_start3A_17 : memref<80032xf32, #tpu.memory_space<hbm>>) target_semaphore(%run_scoped3A : memref<!tpu.dma_semaphore, #tpu.memory_space<semaphore_mem>>)
      %dma_wait3A = arith.constant 0 : i32
      %dma_wait3A_18 = tpu.memref_slice %arg4[%add3A, %dma_wait3A] : memref<32x80032xf32, #tpu.memory_space<hbm>> -> memref<1x80032xf32, #tpu.memory_space<hbm>>
      %dma_wait3A_19 = tpu.memref_squeeze %dma_wait3A_18 : memref<1x80032xf32, #tpu.memory_space<hbm>> -> memref<80032xf32, #tpu.memory_space<hbm>>
      %dma_wait3A_20 = arith.constant 0 : i32
      %dma_wait3A_21 = tpu.memref_slice %arg4[%add3A, %dma_wait3A_20] : memref<32x80032xf32, #tpu.memory_space<hbm>> -> memref<1x80032xf32, #tpu.memory_space<hbm>>
      %dma_wait3A_22 = tpu.memref_squeeze %dma_wait3A_21 : memref<1x80032xf32, #tpu.memory_space<hbm>> -> memref<80032xf32, #tpu.memory_space<hbm>>
      tpu.wait_dma2 semaphore(%run_scoped3A : memref<!tpu.dma_semaphore, #tpu.memory_space<semaphore_mem>>) src(%arg5 : memref<80032xf32, #tpu.memory_space<vmem>>) dst(%dma_wait3A_22 : memref<80032xf32, #tpu.memory_space<hbm>>)
      tpu.yield
    }) : () -> ()
    return
  }
}

module attributes {stable_mosaic.version = 14 : i64} {
  func.func @body(%arg0: i32, %arg1: i32, %arg2: memref<1x512x1408xf32, #tpu.memory_space<vmem>>, %arg3: memref<1x512x512xf32, #tpu.memory_space<vmem>>, %arg4: memref<512x1xf32, #tpu.memory_space<vmem>>, %arg5: memref<512x1xf32, #tpu.memory_space<vmem>>, %arg6: memref<512x1408xf32, #tpu.memory_space<vmem>>) attributes {dimension_semantics = [#tpu.dimension_semantics<arbitrary>, #tpu.dimension_semantics<arbitrary>], iteration_bounds = array<i64: 3, 9>, scalar_prefetch = 0 : i64, scratch_operands = 0 : i64, tpu.core_type = #tpu.core_type<tc>, window_params = [{transform_indices = @transform_0, window_bounds = array<i64: 1, 512, 1408>}, {transform_indices = @transform_1, window_bounds = array<i64: 1, 512, 512>}, {pipeline_mode = #tpu.pipeline_mode<synchronous>, transform_indices = @transform_2, window_bounds = array<i64: 512, 1>}, {pipeline_mode = #tpu.pipeline_mode<synchronous>, transform_indices = @transform_3, window_bounds = array<i64: 512, 1>}, {transform_indices = @transform_4, window_bounds = array<i64: 512, 1408>}]} {
    %get3A = arith.constant 0 : index
    %get3A_0 = arith.constant 0 : index
    %get3A_1 = arith.constant 0 : index
    %get3A_2 = vector.load %arg3[%get3A, %get3A_0, %get3A_1] : memref<1x512x512xf32, #tpu.memory_space<vmem>>, vector<1x512x512xf32>
    %get3A_3 = vector.shape_cast %get3A_2 : vector<1x512x512xf32> to vector<512x512xf32>
    %get3A_4 = arith.constant 0 : index
    %get3A_5 = arith.constant 0 : index
    %get3A_6 = arith.constant 0 : index
    %get3A_7 = vector.load %arg2[%get3A_4, %get3A_5, %get3A_6] : memref<1x512x1408xf32, #tpu.memory_space<vmem>>, vector<1x512x1408xf32>
    %get3A_8 = vector.shape_cast %get3A_7 : vector<1x512x1408xf32> to vector<512x1408xf32>
    %dot_general3A = arith.constant dense<0.000000e+00> : vector<512x1408xf32>
    %dot_general3A_9 = tpu.matmul %get3A_3, %get3A_8, %dot_general3A {dimension_numbers = #tpu.dot_dimension_numbers<[1], [0], [0], [1], [0, 0, 1, 1], [], []>, transpose_lhs_hint = false} : vector<512x512xf32>, vector<512x1408xf32>, vector<512x1408xf32> -> vector<512x1408xf32>
    %eq3A = arith.constant 0 : i32
    %eq3A_10 = arith.cmpi eq, %arg1, %eq3A : i32
    %convert_element_type3A = arith.extui %eq3A_10 : i1 to i32
    %cond3A = arith.constant 0 : i32
    %cond3A_11 = arith.cmpi ne, %convert_element_type3A, %cond3A : i32
    scf.if %cond3A_11 {
      %swap3A = arith.constant 0 : index
      %swap3A_21 = arith.constant 0 : index
      %swap3A_22 = vector.load %arg6[%swap3A, %swap3A_21] : memref<512x1408xf32, #tpu.memory_space<vmem>>, vector<512x1408xf32>
      tpu.vector_store %arg6[%swap3A, %swap3A_21], %dot_general3A_9 {strides = array<i32>} : memref<512x1408xf32, #tpu.memory_space<vmem>>, vector<512x1408xf32>,
    } else {
    }
    %gt3A = arith.constant 0 : i32
    %gt3A_12 = arith.cmpi sgt, %arg1, %gt3A : i32
    %convert_element_type3A_13 = arith.extui %gt3A_12 : i1 to i32
    %cond3A_14 = arith.constant 0 : i32
    %cond3A_15 = arith.cmpi ne, %convert_element_type3A_13, %cond3A_14 : i32
    scf.if %cond3A_15 {
      %get3A_21 = arith.constant 0 : index
      %get3A_22 = arith.constant 0 : index
      %get3A_23 = vector.load %arg6[%get3A_21, %get3A_22] : memref<512x1408xf32, #tpu.memory_space<vmem>>, vector<512x1408xf32>
      %add3A = arith.addf %get3A_23, %dot_general3A_9 : vector<512x1408xf32>
      %swap3A = arith.constant 0 : index
      %swap3A_24 = arith.constant 0 : index
      %swap3A_25 = vector.load %arg6[%swap3A, %swap3A_24] : memref<512x1408xf32, #tpu.memory_space<vmem>>, vector<512x1408xf32>
      tpu.vector_store %arg6[%swap3A, %swap3A_24], %add3A {strides = array<i32>} : memref<512x1408xf32, #tpu.memory_space<vmem>>, vector<512x1408xf32>,
    } else {
    }
    %eq3A_16 = arith.constant 8 : i32
    %eq3A_17 = arith.cmpi eq, %arg1, %eq3A_16 : i32
    %convert_element_type3A_18 = arith.extui %eq3A_17 : i1 to i32
    %cond3A_19 = arith.constant 0 : i32
    %cond3A_20 = arith.cmpi ne, %convert_element_type3A_18, %cond3A_19 : i32
    scf.if %cond3A_20 {
      %get3A_21 = arith.constant 0 : index
      %get3A_22 = arith.constant 0 : index
      %get3A_23 = vector.load %arg6[%get3A_21, %get3A_22] : memref<512x1408xf32, #tpu.memory_space<vmem>>, vector<512x1408xf32>
      %get3A_24 = arith.constant 0 : index
      %get3A_25 = arith.constant 0 : index
      %get3A_26 = vector.load %arg4[%get3A_24, %get3A_25] : memref<512x1xf32, #tpu.memory_space<vmem>>, vector<512x1xf32>
      %mul3A = vector.broadcast %get3A_26 : vector<512x1xf32> to vector<512x1408xf32>
      %mul3A_27 = arith.mulf %get3A_23, %mul3A : vector<512x1408xf32>
      %get3A_28 = arith.constant 0 : index
      %get3A_29 = arith.constant 0 : index
      %get3A_30 = vector.load %arg5[%get3A_28, %get3A_29] : memref<512x1xf32, #tpu.memory_space<vmem>>, vector<512x1xf32>
      %add3A = vector.broadcast %get3A_30 : vector<512x1xf32> to vector<512x1408xf32>
      %add3A_31 = arith.addf %mul3A_27, %add3A : vector<512x1408xf32>
      %max3A = arith.constant 0.000000e+00 : f32
      %max3A_32 = vector.broadcast %max3A : f32 to vector<512x1408xf32>
      %max3A_33 = arith.maximumf %add3A_31, %max3A_32 : vector<512x1408xf32>
      %swap3A = arith.constant 0 : index
      %swap3A_34 = arith.constant 0 : index
      %swap3A_35 = vector.load %arg6[%swap3A, %swap3A_34] : memref<512x1408xf32, #tpu.memory_space<vmem>>, vector<512x1408xf32>
      tpu.vector_store %arg6[%swap3A, %swap3A_34], %max3A_33 {strides = array<i32>} : memref<512x1408xf32, #tpu.memory_space<vmem>>, vector<512x1408xf32>,
    } else {
    }
    return
  }
  func.func @transform_0(%arg0: i32, %arg1: i32) -> (i32, i32, i32) {
    %c0_i32 = arith.constant 0 : i32
    %c0_i32_0 = arith.constant 0 : i32
    return %arg1, %c0_i32, %arg0 : i32, i32, i32
  }
  func.func @transform_1(%arg0: i32, %arg1: i32) -> (i32, i32, i32) {
    %c0_i32 = arith.constant 0 : i32
    %c0_i32_0 = arith.constant 0 : i32
    %c0_i32_1 = arith.constant 0 : i32
    return %arg1, %c0_i32, %c0_i32_0 : i32, i32, i32
  }
  func.func @transform_2(%arg0: i32, %arg1: i32) -> (i32, i32) {
    %c0_i32 = arith.constant 0 : i32
    %c0_i32_0 = arith.constant 0 : i32
    %c0_i32_1 = arith.constant 0 : i32
    return %c0_i32, %c0_i32_0 : i32, i32
  }
  func.func @transform_3(%arg0: i32, %arg1: i32) -> (i32, i32) {
    %c0_i32 = arith.constant 0 : i32
    %c0_i32_0 = arith.constant 0 : i32
    %c0_i32_1 = arith.constant 0 : i32
    return %c0_i32, %c0_i32_0 : i32, i32
  }
  func.func @transform_4(%arg0: i32, %arg1: i32) -> (i32, i32) {
    %c0_i32 = arith.constant 0 : i32
    %c0_i32_0 = arith.constant 0 : i32
    return %c0_i32, %arg0 : i32, i32
  }
}

module attributes {stable_mosaic.version = 14 : i64} {
  func.func @body(%arg0: i32, %arg1: memref<1x512x704xf32, #tpu.memory_space<vmem>>, %arg2: memref<118x512xf32, #tpu.memory_space<vmem>>, %arg3: memref<118x1xf32, #tpu.memory_space<vmem>>, %arg4: memref<64x512xf32, #tpu.memory_space<vmem>>, %arg5: memref<64x1xf32, #tpu.memory_space<vmem>>, %arg6: memref<1x118x704xf32, #tpu.memory_space<vmem>>, %arg7: memref<1x64x704xf32, #tpu.memory_space<vmem>>) attributes {dimension_semantics = [#tpu.dimension_semantics<arbitrary>], iteration_bounds = array<i64: 6>, scalar_prefetch = 0 : i64, scratch_operands = 0 : i64, tpu.core_type = #tpu.core_type<tc>, window_params = [{transform_indices = @transform_0, window_bounds = array<i64: 1, 512, 704>}, {pipeline_mode = #tpu.pipeline_mode<synchronous>, transform_indices = @transform_1, window_bounds = array<i64: 118, 512>}, {pipeline_mode = #tpu.pipeline_mode<synchronous>, transform_indices = @transform_2, window_bounds = array<i64: 118, 1>}, {pipeline_mode = #tpu.pipeline_mode<synchronous>, transform_indices = @transform_3, window_bounds = array<i64: 64, 512>}, {pipeline_mode = #tpu.pipeline_mode<synchronous>, transform_indices = @transform_4, window_bounds = array<i64: 64, 1>}, {transform_indices = @transform_5, window_bounds = array<i64: 1, 118, 704>}, {transform_indices = @transform_6, window_bounds = array<i64: 1, 64, 704>}]} {
    %get3A = arith.constant 0 : index
    %get3A_0 = arith.constant 0 : index
    %get3A_1 = arith.constant 0 : index
    %get3A_2 = vector.load %arg1[%get3A, %get3A_0, %get3A_1] : memref<1x512x704xf32, #tpu.memory_space<vmem>>, vector<1x512x704xf32>
    %get3A_3 = vector.shape_cast %get3A_2 : vector<1x512x704xf32> to vector<512x704xf32>
    %get3A_4 = arith.constant 0 : index
    %get3A_5 = arith.constant 0 : index
    %get3A_6 = vector.load %arg2[%get3A_4, %get3A_5] : memref<118x512xf32, #tpu.memory_space<vmem>>, vector<118x512xf32>
    %dot_general3A = arith.constant dense<0.000000e+00> : vector<118x704xf32>
    %dot_general3A_7 = tpu.matmul %get3A_6, %get3A_3, %dot_general3A {dimension_numbers = #tpu.dot_dimension_numbers<[1], [0], [0], [1], [0, 0, 1, 1], [], []>, transpose_lhs_hint = false} : vector<118x512xf32>, vector<512x704xf32>, vector<118x704xf32> -> vector<118x704xf32>
    %get3A_8 = arith.constant 0 : index
    %get3A_9 = arith.constant 0 : index
    %get3A_10 = vector.load %arg3[%get3A_8, %get3A_9] : memref<118x1xf32, #tpu.memory_space<vmem>>, vector<118x1xf32>
    %add3A = vector.broadcast %get3A_10 : vector<118x1xf32> to vector<118x704xf32>
    %add3A_11 = arith.addf %dot_general3A_7, %add3A : vector<118x704xf32>
    %get3A_12 = arith.constant 0 : index
    %get3A_13 = arith.constant 0 : index
    %get3A_14 = vector.load %arg4[%get3A_12, %get3A_13] : memref<64x512xf32, #tpu.memory_space<vmem>>, vector<64x512xf32>
    %dot_general3A_15 = arith.constant dense<0.000000e+00> : vector<64x704xf32>
    %dot_general3A_16 = tpu.matmul %get3A_14, %get3A_3, %dot_general3A_15 {dimension_numbers = #tpu.dot_dimension_numbers<[1], [0], [0], [1], [0, 0, 1, 1], [], []>, transpose_lhs_hint = false} : vector<64x512xf32>, vector<512x704xf32>, vector<64x704xf32> -> vector<64x704xf32>
    %get3A_17 = arith.constant 0 : index
    %get3A_18 = arith.constant 0 : index
    %get3A_19 = vector.load %arg5[%get3A_17, %get3A_18] : memref<64x1xf32, #tpu.memory_space<vmem>>, vector<64x1xf32>
    %add3A_20 = vector.broadcast %get3A_19 : vector<64x1xf32> to vector<64x704xf32>
    %add3A_21 = arith.addf %dot_general3A_16, %add3A_20 : vector<64x704xf32>
    %swap3A = arith.constant 0 : index
    %swap3A_22 = arith.constant 0 : index
    %swap3A_23 = arith.constant 0 : index
    %swap3A_24 = vector.load %arg7[%swap3A, %swap3A_22, %swap3A_23] : memref<1x64x704xf32, #tpu.memory_space<vmem>>, vector<1x64x704xf32>
    %swap3A_25 = vector.shape_cast %swap3A_24 : vector<1x64x704xf32> to vector<64x704xf32>
    %swap3A_26 = vector.shape_cast %add3A_21 : vector<64x704xf32> to vector<1x64x704xf32>
    tpu.vector_store %arg7[%swap3A, %swap3A_22, %swap3A_23], %swap3A_26 {strides = array<i32>} : memref<1x64x704xf32, #tpu.memory_space<vmem>>, vector<1x64x704xf32>,
    %reduce_max3A = arith.constant dense<0xFF800000> : vector<704xf32>
    %reduce_max3A_27 = vector.multi_reduction <maximumf>, %add3A_11, %reduce_max3A [0] : vector<118x704xf32> to vector<704xf32>
    %broadcast_in_dim3A = vector.shape_cast %reduce_max3A_27 : vector<704xf32> to vector<1x704xf32>
    %sub3A = vector.broadcast %broadcast_in_dim3A : vector<1x704xf32> to vector<118x704xf32>
    %sub3A_28 = arith.subf %add3A_11, %sub3A : vector<118x704xf32>
    %exp3A = math.exp %sub3A_28 : vector<118x704xf32>
    %reduce_sum3A = arith.constant dense<0.000000e+00> : vector<704xf32>
    %reduce_sum3A_29 = vector.multi_reduction <add>, %exp3A, %reduce_sum3A [0] : vector<118x704xf32> to vector<704xf32>
    %broadcast_in_dim3A_30 = vector.shape_cast %reduce_sum3A_29 : vector<704xf32> to vector<1x704xf32>
    %div3A = vector.broadcast %broadcast_in_dim3A_30 : vector<1x704xf32> to vector<118x704xf32>
    %div3A_31 = arith.divf %exp3A, %div3A : vector<118x704xf32>
    %swap3A_32 = arith.constant 0 : index
    %swap3A_33 = arith.constant 0 : index
    %swap3A_34 = arith.constant 0 : index
    %swap3A_35 = vector.load %arg6[%swap3A_32, %swap3A_33, %swap3A_34] : memref<1x118x704xf32, #tpu.memory_space<vmem>>, vector<1x118x704xf32>
    %swap3A_36 = vector.shape_cast %swap3A_35 : vector<1x118x704xf32> to vector<118x704xf32>
    %swap3A_37 = vector.shape_cast %div3A_31 : vector<118x704xf32> to vector<1x118x704xf32>
    tpu.vector_store %arg6[%swap3A_32, %swap3A_33, %swap3A_34], %swap3A_37 {strides = array<i32>} : memref<1x118x704xf32, #tpu.memory_space<vmem>>, vector<1x118x704xf32>,
    return
  }
  func.func @transform_0(%arg0: i32) -> (i32, i32, i32) {
    %c0_i32 = arith.constant 0 : i32
    %c0_i32_0 = arith.constant 0 : i32
    %c0_i32_1 = arith.constant 0 : i32
    return %arg0, %c0_i32, %c0_i32_0 : i32, i32, i32
  }
  func.func @transform_1(%arg0: i32) -> (i32, i32) {
    %c0_i32 = arith.constant 0 : i32
    %c0_i32_0 = arith.constant 0 : i32
    %c0_i32_1 = arith.constant 0 : i32
    return %c0_i32, %c0_i32_0 : i32, i32
  }
  func.func @transform_2(%arg0: i32) -> (i32, i32) {
    %c0_i32 = arith.constant 0 : i32
    %c0_i32_0 = arith.constant 0 : i32
    %c0_i32_1 = arith.constant 0 : i32
    return %c0_i32, %c0_i32_0 : i32, i32
  }
  func.func @transform_3(%arg0: i32) -> (i32, i32) {
    %c0_i32 = arith.constant 0 : i32
    %c0_i32_0 = arith.constant 0 : i32
    %c0_i32_1 = arith.constant 0 : i32
    return %c0_i32, %c0_i32_0 : i32, i32
  }
  func.func @transform_4(%arg0: i32) -> (i32, i32) {
    %c0_i32 = arith.constant 0 : i32
    %c0_i32_0 = arith.constant 0 : i32
    %c0_i32_1 = arith.constant 0 : i32
    return %c0_i32, %c0_i32_0 : i32, i32
  }
  func.func @transform_5(%arg0: i32) -> (i32, i32, i32) {
    %c0_i32 = arith.constant 0 : i32
    %c0_i32_0 = arith.constant 0 : i32
    %c0_i32_1 = arith.constant 0 : i32
    return %arg0, %c0_i32, %c0_i32_0 : i32, i32, i32
  }
  func.func @transform_6(%arg0: i32) -> (i32, i32, i32) {
    %c0_i32 = arith.constant 0 : i32
    %c0_i32_0 = arith.constant 0 : i32
    %c0_i32_1 = arith.constant 0 : i32
    return %arg0, %c0_i32, %c0_i32_0 : i32, i32, i32
  }
}

module attributes {stable_mosaic.version = 14 : i64} {
  func.func @body(%arg0: i32, %arg1: i32, %arg2: i32, %arg3: memref<1x1x2x704xf32, #tpu.memory_space<vmem>>, %arg4: memref<1x64x704xf32, #tpu.memory_space<vmem>>, %arg5: memref<1x2x1x64x704xf32, #tpu.memory_space<vmem>>) attributes {dimension_semantics = [#tpu.dimension_semantics<arbitrary>, #tpu.dimension_semantics<arbitrary>, #tpu.dimension_semantics<arbitrary>], iteration_bounds = array<i64: 32, 6, 2>, scalar_prefetch = 0 : i64, scratch_operands = 0 : i64, tpu.core_type = #tpu.core_type<tc>, window_params = [{transform_indices = @transform_0, window_bounds = array<i64: 1, 1, 2, 704>}, {transform_indices = @transform_1, window_bounds = array<i64: 1, 64, 704>}, {transform_indices = @transform_2, window_bounds = array<i64: 1, 2, 1, 64, 704>}]} {
    %get3A = arith.constant 0 : index
    %get3A_0 = arith.constant 0 : index
    %get3A_1 = arith.constant 0 : index
    %get3A_2 = arith.constant 0 : index
    %get3A_3 = vector.load %arg3[%get3A, %get3A_0, %get3A_1, %get3A_2] : memref<1x1x2x704xf32, #tpu.memory_space<vmem>>, vector<1x1x2x704xf32>
    %get3A_4 = vector.shape_cast %get3A_3 : vector<1x1x2x704xf32> to vector<2x704xf32>
    %get3A_5 = arith.constant 0 : index
    %get3A_6 = arith.constant 0 : index
    %get3A_7 = arith.constant 0 : index
    %get3A_8 = vector.load %arg4[%get3A_5, %get3A_6, %get3A_7] : memref<1x64x704xf32, #tpu.memory_space<vmem>>, vector<1x64x704xf32>
    %get3A_9 = vector.shape_cast %get3A_8 : vector<1x64x704xf32> to vector<64x704xf32>
    %slice3A = vector.extract_strided_slice %get3A_4 {offsets = [0, 0], sizes = [1, 704], strides = [1, 1]} : vector<2x704xf32> to vector<1x704xf32>
    %mul3A = vector.broadcast %slice3A : vector<1x704xf32> to vector<64x704xf32>
    %mul3A_10 = arith.mulf %mul3A, %get3A_9 : vector<64x704xf32>
    %swap3A = arith.constant 0 : index
    %swap3A_11 = arith.constant 0 : index
    %swap3A_12 = arith.constant 0 : index
    %swap3A_13 = arith.constant 0 : index
    %swap3A_14 = arith.constant 0 : index
    %swap3A_15 = vector.load %arg5[%swap3A, %swap3A_11, %swap3A_12, %swap3A_13, %swap3A_14] : memref<1x2x1x64x704xf32, #tpu.memory_space<vmem>>, vector<1x1x1x64x704xf32>
    %swap3A_16 = vector.shape_cast %swap3A_15 : vector<1x1x1x64x704xf32> to vector<64x704xf32>
    %swap3A_17 = vector.shape_cast %mul3A_10 : vector<64x704xf32> to vector<1x1x1x64x704xf32>
    tpu.vector_store %arg5[%swap3A, %swap3A_11, %swap3A_12, %swap3A_13, %swap3A_14], %swap3A_17 {strides = array<i32>} : memref<1x2x1x64x704xf32, #tpu.memory_space<vmem>>, vector<1x1x1x64x704xf32>,
    %slice3A_18 = vector.extract_strided_slice %get3A_4 {offsets = [1, 0], sizes = [1, 704], strides = [1, 1]} : vector<2x704xf32> to vector<1x704xf32>
    %mul3A_19 = vector.broadcast %slice3A_18 : vector<1x704xf32> to vector<64x704xf32>
    %mul3A_20 = arith.mulf %mul3A_19, %get3A_9 : vector<64x704xf32>
    %swap3A_21 = arith.constant 0 : index
    %swap3A_22 = arith.constant 1 : index
    %swap3A_23 = arith.constant 0 : index
    %swap3A_24 = arith.constant 0 : index
    %swap3A_25 = arith.constant 0 : index
    %swap3A_26 = vector.load %arg5[%swap3A_21, %swap3A_22, %swap3A_23, %swap3A_24, %swap3A_25] : memref<1x2x1x64x704xf32, #tpu.memory_space<vmem>>, vector<1x1x1x64x704xf32>
    %swap3A_27 = vector.shape_cast %swap3A_26 : vector<1x1x1x64x704xf32> to vector<64x704xf32>
    %swap3A_28 = vector.shape_cast %mul3A_20 : vector<64x704xf32> to vector<1x1x1x64x704xf32>
    tpu.vector_store %arg5[%swap3A_21, %swap3A_22, %swap3A_23, %swap3A_24, %swap3A_25], %swap3A_28 {strides = array<i32>} : memref<1x2x1x64x704xf32, #tpu.memory_space<vmem>>, vector<1x1x1x64x704xf32>,
    return
  }
  func.func @transform_0(%arg0: i32, %arg1: i32, %arg2: i32) -> (i32, i32, i32, i32) {
    %c0_i32 = arith.constant 0 : i32
    %c0_i32_0 = arith.constant 0 : i32
    %c0_i32_1 = arith.constant 0 : i32
    return %arg1, %arg0, %c0_i32, %c0_i32_0 : i32, i32, i32, i32
  }
  func.func @transform_1(%arg0: i32, %arg1: i32, %arg2: i32) -> (i32, i32, i32) {
    %c0_i32 = arith.constant 0 : i32
    %c0_i32_0 = arith.constant 0 : i32
    return %arg1, %arg2, %c0_i32 : i32, i32, i32
  }
  func.func @transform_2(%arg0: i32, %arg1: i32, %arg2: i32) -> (i32, i32, i32, i32, i32) {
    %c0_i32 = arith.constant 0 : i32
    %c0_i32_0 = arith.constant 0 : i32
    %c0_i32_1 = arith.constant 0 : i32
    return %arg0, %c0_i32, %arg1, %arg2, %c0_i32_0 : i32, i32, i32, i32, i32
  }
}

module attributes {stable_mosaic.version = 14 : i64} {
  func.func @body(%arg0: i32, %arg1: i32, %arg2: memref<1x64x2048xf32, #tpu.memory_space<vmem>>, %arg3: memref<1x128x64xf32, #tpu.memory_space<vmem>>, %arg4: memref<128x1xf32, #tpu.memory_space<vmem>>, %arg5: memref<128x1xf32, #tpu.memory_space<vmem>>, %arg6: memref<128x2048xf32, #tpu.memory_space<vmem>>) attributes {dimension_semantics = [#tpu.dimension_semantics<arbitrary>, #tpu.dimension_semantics<arbitrary>], iteration_bounds = array<i64: 20, 9>, scalar_prefetch = 0 : i64, scratch_operands = 0 : i64, tpu.core_type = #tpu.core_type<tc>, window_params = [{transform_indices = @transform_0, window_bounds = array<i64: 1, 64, 2048>}, {transform_indices = @transform_1, window_bounds = array<i64: 1, 128, 64>}, {pipeline_mode = #tpu.pipeline_mode<synchronous>, transform_indices = @transform_2, window_bounds = array<i64: 128, 1>}, {pipeline_mode = #tpu.pipeline_mode<synchronous>, transform_indices = @transform_3, window_bounds = array<i64: 128, 1>}, {transform_indices = @transform_4, window_bounds = array<i64: 128, 2048>}]} {
    %get3A = arith.constant 0 : index
    %get3A_0 = arith.constant 0 : index
    %get3A_1 = arith.constant 0 : index
    %get3A_2 = vector.load %arg3[%get3A, %get3A_0, %get3A_1] : memref<1x128x64xf32, #tpu.memory_space<vmem>>, vector<1x128x64xf32>
    %get3A_3 = vector.shape_cast %get3A_2 : vector<1x128x64xf32> to vector<128x64xf32>
    %get3A_4 = arith.constant 0 : index
    %get3A_5 = arith.constant 0 : index
    %get3A_6 = arith.constant 0 : index
    %get3A_7 = vector.load %arg2[%get3A_4, %get3A_5, %get3A_6] : memref<1x64x2048xf32, #tpu.memory_space<vmem>>, vector<1x64x2048xf32>
    %get3A_8 = vector.shape_cast %get3A_7 : vector<1x64x2048xf32> to vector<64x2048xf32>
    %dot_general3A = arith.constant dense<0.000000e+00> : vector<128x2048xf32>
    %dot_general3A_9 = tpu.matmul %get3A_3, %get3A_8, %dot_general3A {dimension_numbers = #tpu.dot_dimension_numbers<[1], [0], [0], [1], [0, 0, 1, 1], [], []>, transpose_lhs_hint = false} : vector<128x64xf32>, vector<64x2048xf32>, vector<128x2048xf32> -> vector<128x2048xf32>
    %eq3A = arith.constant 0 : i32
    %eq3A_10 = arith.cmpi eq, %arg1, %eq3A : i32
    %convert_element_type3A = arith.extui %eq3A_10 : i1 to i32
    %cond3A = arith.constant 0 : i32
    %cond3A_11 = arith.cmpi ne, %convert_element_type3A, %cond3A : i32
    scf.if %cond3A_11 {
      %swap3A = arith.constant 0 : index
      %swap3A_21 = arith.constant 0 : index
      %swap3A_22 = vector.load %arg6[%swap3A, %swap3A_21] : memref<128x2048xf32, #tpu.memory_space<vmem>>, vector<128x2048xf32>
      tpu.vector_store %arg6[%swap3A, %swap3A_21], %dot_general3A_9 {strides = array<i32>} : memref<128x2048xf32, #tpu.memory_space<vmem>>, vector<128x2048xf32>,
    } else {
    }
    %gt3A = arith.constant 0 : i32
    %gt3A_12 = arith.cmpi sgt, %arg1, %gt3A : i32
    %convert_element_type3A_13 = arith.extui %gt3A_12 : i1 to i32
    %cond3A_14 = arith.constant 0 : i32
    %cond3A_15 = arith.cmpi ne, %convert_element_type3A_13, %cond3A_14 : i32
    scf.if %cond3A_15 {
      %get3A_21 = arith.constant 0 : index
      %get3A_22 = arith.constant 0 : index
      %get3A_23 = vector.load %arg6[%get3A_21, %get3A_22] : memref<128x2048xf32, #tpu.memory_space<vmem>>, vector<128x2048xf32>
      %add3A = arith.addf %get3A_23, %dot_general3A_9 : vector<128x2048xf32>
      %swap3A = arith.constant 0 : index
      %swap3A_24 = arith.constant 0 : index
      %swap3A_25 = vector.load %arg6[%swap3A, %swap3A_24] : memref<128x2048xf32, #tpu.memory_space<vmem>>, vector<128x2048xf32>
      tpu.vector_store %arg6[%swap3A, %swap3A_24], %add3A {strides = array<i32>} : memref<128x2048xf32, #tpu.memory_space<vmem>>, vector<128x2048xf32>,
    } else {
    }
    %eq3A_16 = arith.constant 8 : i32
    %eq3A_17 = arith.cmpi eq, %arg1, %eq3A_16 : i32
    %convert_element_type3A_18 = arith.extui %eq3A_17 : i1 to i32
    %cond3A_19 = arith.constant 0 : i32
    %cond3A_20 = arith.cmpi ne, %convert_element_type3A_18, %cond3A_19 : i32
    scf.if %cond3A_20 {
      %get3A_21 = arith.constant 0 : index
      %get3A_22 = arith.constant 0 : index
      %get3A_23 = vector.load %arg6[%get3A_21, %get3A_22] : memref<128x2048xf32, #tpu.memory_space<vmem>>, vector<128x2048xf32>
      %get3A_24 = arith.constant 0 : index
      %get3A_25 = arith.constant 0 : index
      %get3A_26 = vector.load %arg4[%get3A_24, %get3A_25] : memref<128x1xf32, #tpu.memory_space<vmem>>, vector<128x1xf32>
      %mul3A = vector.broadcast %get3A_26 : vector<128x1xf32> to vector<128x2048xf32>
      %mul3A_27 = arith.mulf %get3A_23, %mul3A : vector<128x2048xf32>
      %get3A_28 = arith.constant 0 : index
      %get3A_29 = arith.constant 0 : index
      %get3A_30 = vector.load %arg5[%get3A_28, %get3A_29] : memref<128x1xf32, #tpu.memory_space<vmem>>, vector<128x1xf32>
      %add3A = vector.broadcast %get3A_30 : vector<128x1xf32> to vector<128x2048xf32>
      %add3A_31 = arith.addf %mul3A_27, %add3A : vector<128x2048xf32>
      %max3A = arith.constant 0.000000e+00 : f32
      %max3A_32 = vector.broadcast %max3A : f32 to vector<128x2048xf32>
      %max3A_33 = arith.maximumf %add3A_31, %max3A_32 : vector<128x2048xf32>
      %swap3A = arith.constant 0 : index
      %swap3A_34 = arith.constant 0 : index
      %swap3A_35 = vector.load %arg6[%swap3A, %swap3A_34] : memref<128x2048xf32, #tpu.memory_space<vmem>>, vector<128x2048xf32>
      tpu.vector_store %arg6[%swap3A, %swap3A_34], %max3A_33 {strides = array<i32>} : memref<128x2048xf32, #tpu.memory_space<vmem>>, vector<128x2048xf32>,
    } else {
    }
    return
  }
  func.func @transform_0(%arg0: i32, %arg1: i32) -> (i32, i32, i32) {
    %c0_i32 = arith.constant 0 : i32
    %c0_i32_0 = arith.constant 0 : i32
    return %arg1, %c0_i32, %arg0 : i32, i32, i32
  }
  func.func @transform_1(%arg0: i32, %arg1: i32) -> (i32, i32, i32) {
    %c0_i32 = arith.constant 0 : i32
    %c0_i32_0 = arith.constant 0 : i32
    %c0_i32_1 = arith.constant 0 : i32
    return %arg1, %c0_i32, %c0_i32_0 : i32, i32, i32
  }
  func.func @transform_2(%arg0: i32, %arg1: i32) -> (i32, i32) {
    %c0_i32 = arith.constant 0 : i32
    %c0_i32_0 = arith.constant 0 : i32
    %c0_i32_1 = arith.constant 0 : i32
    return %c0_i32, %c0_i32_0 : i32, i32
  }
  func.func @transform_3(%arg0: i32, %arg1: i32) -> (i32, i32) {
    %c0_i32 = arith.constant 0 : i32
    %c0_i32_0 = arith.constant 0 : i32
    %c0_i32_1 = arith.constant 0 : i32
    return %c0_i32, %c0_i32_0 : i32, i32
  }
  func.func @transform_4(%arg0: i32, %arg1: i32) -> (i32, i32) {
    %c0_i32 = arith.constant 0 : i32
    %c0_i32_0 = arith.constant 0 : i32
    return %c0_i32, %arg0 : i32, i32
  }
}

module attributes {stable_mosaic.version = 14 : i64} {
  func.func @body(%arg0: i32, %arg1: i32, %arg2: memref<1x128x2048xf32, #tpu.memory_space<vmem>>, %arg3: memref<1x128x128xf32, #tpu.memory_space<vmem>>, %arg4: memref<128x1xf32, #tpu.memory_space<vmem>>, %arg5: memref<128x1xf32, #tpu.memory_space<vmem>>, %arg6: memref<128x2048xf32, #tpu.memory_space<vmem>>) attributes {dimension_semantics = [#tpu.dimension_semantics<arbitrary>, #tpu.dimension_semantics<arbitrary>], iteration_bounds = array<i64: 5, 9>, scalar_prefetch = 0 : i64, scratch_operands = 0 : i64, tpu.core_type = #tpu.core_type<tc>, window_params = [{transform_indices = @transform_0, window_bounds = array<i64: 1, 128, 2048>}, {transform_indices = @transform_1, window_bounds = array<i64: 1, 128, 128>}, {pipeline_mode = #tpu.pipeline_mode<synchronous>, transform_indices = @transform_2, window_bounds = array<i64: 128, 1>}, {pipeline_mode = #tpu.pipeline_mode<synchronous>, transform_indices = @transform_3, window_bounds = array<i64: 128, 1>}, {transform_indices = @transform_4, window_bounds = array<i64: 128, 2048>}]} {
    %get3A = arith.constant 0 : index
    %get3A_0 = arith.constant 0 : index
    %get3A_1 = arith.constant 0 : index
    %get3A_2 = vector.load %arg3[%get3A, %get3A_0, %get3A_1] : memref<1x128x128xf32, #tpu.memory_space<vmem>>, vector<1x128x128xf32>
    %get3A_3 = vector.shape_cast %get3A_2 : vector<1x128x128xf32> to vector<128x128xf32>
    %get3A_4 = arith.constant 0 : index
    %get3A_5 = arith.constant 0 : index
    %get3A_6 = arith.constant 0 : index
    %get3A_7 = vector.load %arg2[%get3A_4, %get3A_5, %get3A_6] : memref<1x128x2048xf32, #tpu.memory_space<vmem>>, vector<1x128x2048xf32>
    %get3A_8 = vector.shape_cast %get3A_7 : vector<1x128x2048xf32> to vector<128x2048xf32>
    %dot_general3A = arith.constant dense<0.000000e+00> : vector<128x2048xf32>
    %dot_general3A_9 = tpu.matmul %get3A_3, %get3A_8, %dot_general3A {dimension_numbers = #tpu.dot_dimension_numbers<[1], [0], [0], [1], [0, 0, 1, 1], [], []>, transpose_lhs_hint = false} : vector<128x128xf32>, vector<128x2048xf32>, vector<128x2048xf32> -> vector<128x2048xf32>
    %eq3A = arith.constant 0 : i32
    %eq3A_10 = arith.cmpi eq, %arg1, %eq3A : i32
    %convert_element_type3A = arith.extui %eq3A_10 : i1 to i32
    %cond3A = arith.constant 0 : i32
    %cond3A_11 = arith.cmpi ne, %convert_element_type3A, %cond3A : i32
    scf.if %cond3A_11 {
      %swap3A = arith.constant 0 : index
      %swap3A_21 = arith.constant 0 : index
      %swap3A_22 = vector.load %arg6[%swap3A, %swap3A_21] : memref<128x2048xf32, #tpu.memory_space<vmem>>, vector<128x2048xf32>
      tpu.vector_store %arg6[%swap3A, %swap3A_21], %dot_general3A_9 {strides = array<i32>} : memref<128x2048xf32, #tpu.memory_space<vmem>>, vector<128x2048xf32>,
    } else {
    }
    %gt3A = arith.constant 0 : i32
    %gt3A_12 = arith.cmpi sgt, %arg1, %gt3A : i32
    %convert_element_type3A_13 = arith.extui %gt3A_12 : i1 to i32
    %cond3A_14 = arith.constant 0 : i32
    %cond3A_15 = arith.cmpi ne, %convert_element_type3A_13, %cond3A_14 : i32
    scf.if %cond3A_15 {
      %get3A_21 = arith.constant 0 : index
      %get3A_22 = arith.constant 0 : index
      %get3A_23 = vector.load %arg6[%get3A_21, %get3A_22] : memref<128x2048xf32, #tpu.memory_space<vmem>>, vector<128x2048xf32>
      %add3A = arith.addf %get3A_23, %dot_general3A_9 : vector<128x2048xf32>
      %swap3A = arith.constant 0 : index
      %swap3A_24 = arith.constant 0 : index
      %swap3A_25 = vector.load %arg6[%swap3A, %swap3A_24] : memref<128x2048xf32, #tpu.memory_space<vmem>>, vector<128x2048xf32>
      tpu.vector_store %arg6[%swap3A, %swap3A_24], %add3A {strides = array<i32>} : memref<128x2048xf32, #tpu.memory_space<vmem>>, vector<128x2048xf32>,
    } else {
    }
    %eq3A_16 = arith.constant 8 : i32
    %eq3A_17 = arith.cmpi eq, %arg1, %eq3A_16 : i32
    %convert_element_type3A_18 = arith.extui %eq3A_17 : i1 to i32
    %cond3A_19 = arith.constant 0 : i32
    %cond3A_20 = arith.cmpi ne, %convert_element_type3A_18, %cond3A_19 : i32
    scf.if %cond3A_20 {
      %get3A_21 = arith.constant 0 : index
      %get3A_22 = arith.constant 0 : index
      %get3A_23 = vector.load %arg6[%get3A_21, %get3A_22] : memref<128x2048xf32, #tpu.memory_space<vmem>>, vector<128x2048xf32>
      %get3A_24 = arith.constant 0 : index
      %get3A_25 = arith.constant 0 : index
      %get3A_26 = vector.load %arg4[%get3A_24, %get3A_25] : memref<128x1xf32, #tpu.memory_space<vmem>>, vector<128x1xf32>
      %mul3A = vector.broadcast %get3A_26 : vector<128x1xf32> to vector<128x2048xf32>
      %mul3A_27 = arith.mulf %get3A_23, %mul3A : vector<128x2048xf32>
      %get3A_28 = arith.constant 0 : index
      %get3A_29 = arith.constant 0 : index
      %get3A_30 = vector.load %arg5[%get3A_28, %get3A_29] : memref<128x1xf32, #tpu.memory_space<vmem>>, vector<128x1xf32>
      %add3A = vector.broadcast %get3A_30 : vector<128x1xf32> to vector<128x2048xf32>
      %add3A_31 = arith.addf %mul3A_27, %add3A : vector<128x2048xf32>
      %max3A = arith.constant 0.000000e+00 : f32
      %max3A_32 = vector.broadcast %max3A : f32 to vector<128x2048xf32>
      %max3A_33 = arith.maximumf %add3A_31, %max3A_32 : vector<128x2048xf32>
      %swap3A = arith.constant 0 : index
      %swap3A_34 = arith.constant 0 : index
      %swap3A_35 = vector.load %arg6[%swap3A, %swap3A_34] : memref<128x2048xf32, #tpu.memory_space<vmem>>, vector<128x2048xf32>
      tpu.vector_store %arg6[%swap3A, %swap3A_34], %max3A_33 {strides = array<i32>} : memref<128x2048xf32, #tpu.memory_space<vmem>>, vector<128x2048xf32>,
    } else {
    }
    return
  }
  func.func @transform_0(%arg0: i32, %arg1: i32) -> (i32, i32, i32) {
    %c0_i32 = arith.constant 0 : i32
    %c0_i32_0 = arith.constant 0 : i32
    return %arg1, %c0_i32, %arg0 : i32, i32, i32
  }
  func.func @transform_1(%arg0: i32, %arg1: i32) -> (i32, i32, i32) {
    %c0_i32 = arith.constant 0 : i32
    %c0_i32_0 = arith.constant 0 : i32
    %c0_i32_1 = arith.constant 0 : i32
    return %arg1, %c0_i32, %c0_i32_0 : i32, i32, i32
  }
  func.func @transform_2(%arg0: i32, %arg1: i32) -> (i32, i32) {
    %c0_i32 = arith.constant 0 : i32
    %c0_i32_0 = arith.constant 0 : i32
    %c0_i32_1 = arith.constant 0 : i32
    return %c0_i32, %c0_i32_0 : i32, i32
  }
  func.func @transform_3(%arg0: i32, %arg1: i32) -> (i32, i32) {
    %c0_i32 = arith.constant 0 : i32
    %c0_i32_0 = arith.constant 0 : i32
    %c0_i32_1 = arith.constant 0 : i32
    return %c0_i32, %c0_i32_0 : i32, i32
  }
  func.func @transform_4(%arg0: i32, %arg1: i32) -> (i32, i32) {
    %c0_i32 = arith.constant 0 : i32
    %c0_i32_0 = arith.constant 0 : i32
    return %c0_i32, %arg0 : i32, i32
  }
}

module attributes {stable_mosaic.version = 14 : i64} {
  func.func @body(%arg0: i32, %arg1: i32, %arg2: memref<1x128x2048xf32, #tpu.memory_space<vmem>>, %arg3: memref<1x256x128xf32, #tpu.memory_space<vmem>>, %arg4: memref<256x1xf32, #tpu.memory_space<vmem>>, %arg5: memref<256x1xf32, #tpu.memory_space<vmem>>, %arg6: memref<256x2048xf32, #tpu.memory_space<vmem>>) attributes {dimension_semantics = [#tpu.dimension_semantics<arbitrary>, #tpu.dimension_semantics<arbitrary>], iteration_bounds = array<i64: 5, 9>, scalar_prefetch = 0 : i64, scratch_operands = 0 : i64, tpu.core_type = #tpu.core_type<tc>, window_params = [{transform_indices = @transform_0, window_bounds = array<i64: 1, 128, 2048>}, {transform_indices = @transform_1, window_bounds = array<i64: 1, 256, 128>}, {pipeline_mode = #tpu.pipeline_mode<synchronous>, transform_indices = @transform_2, window_bounds = array<i64: 256, 1>}, {pipeline_mode = #tpu.pipeline_mode<synchronous>, transform_indices = @transform_3, window_bounds = array<i64: 256, 1>}, {transform_indices = @transform_4, window_bounds = array<i64: 256, 2048>}]} {
    %get3A = arith.constant 0 : index
    %get3A_0 = arith.constant 0 : index
    %get3A_1 = arith.constant 0 : index
    %get3A_2 = vector.load %arg3[%get3A, %get3A_0, %get3A_1] : memref<1x256x128xf32, #tpu.memory_space<vmem>>, vector<1x256x128xf32>
    %get3A_3 = vector.shape_cast %get3A_2 : vector<1x256x128xf32> to vector<256x128xf32>
    %get3A_4 = arith.constant 0 : index
    %get3A_5 = arith.constant 0 : index
    %get3A_6 = arith.constant 0 : index
    %get3A_7 = vector.load %arg2[%get3A_4, %get3A_5, %get3A_6] : memref<1x128x2048xf32, #tpu.memory_space<vmem>>, vector<1x128x2048xf32>
    %get3A_8 = vector.shape_cast %get3A_7 : vector<1x128x2048xf32> to vector<128x2048xf32>
    %dot_general3A = arith.constant dense<0.000000e+00> : vector<256x2048xf32>
    %dot_general3A_9 = tpu.matmul %get3A_3, %get3A_8, %dot_general3A {dimension_numbers = #tpu.dot_dimension_numbers<[1], [0], [0], [1], [0, 0, 1, 1], [], []>, transpose_lhs_hint = false} : vector<256x128xf32>, vector<128x2048xf32>, vector<256x2048xf32> -> vector<256x2048xf32>
    %eq3A = arith.constant 0 : i32
    %eq3A_10 = arith.cmpi eq, %arg1, %eq3A : i32
    %convert_element_type3A = arith.extui %eq3A_10 : i1 to i32
    %cond3A = arith.constant 0 : i32
    %cond3A_11 = arith.cmpi ne, %convert_element_type3A, %cond3A : i32
    scf.if %cond3A_11 {
      %swap3A = arith.constant 0 : index
      %swap3A_21 = arith.constant 0 : index
      %swap3A_22 = vector.load %arg6[%swap3A, %swap3A_21] : memref<256x2048xf32, #tpu.memory_space<vmem>>, vector<256x2048xf32>
      tpu.vector_store %arg6[%swap3A, %swap3A_21], %dot_general3A_9 {strides = array<i32>} : memref<256x2048xf32, #tpu.memory_space<vmem>>, vector<256x2048xf32>,
    } else {
    }
    %gt3A = arith.constant 0 : i32
    %gt3A_12 = arith.cmpi sgt, %arg1, %gt3A : i32
    %convert_element_type3A_13 = arith.extui %gt3A_12 : i1 to i32
    %cond3A_14 = arith.constant 0 : i32
    %cond3A_15 = arith.cmpi ne, %convert_element_type3A_13, %cond3A_14 : i32
    scf.if %cond3A_15 {
      %get3A_21 = arith.constant 0 : index
      %get3A_22 = arith.constant 0 : index
      %get3A_23 = vector.load %arg6[%get3A_21, %get3A_22] : memref<256x2048xf32, #tpu.memory_space<vmem>>, vector<256x2048xf32>
      %add3A = arith.addf %get3A_23, %dot_general3A_9 : vector<256x2048xf32>
      %swap3A = arith.constant 0 : index
      %swap3A_24 = arith.constant 0 : index
      %swap3A_25 = vector.load %arg6[%swap3A, %swap3A_24] : memref<256x2048xf32, #tpu.memory_space<vmem>>, vector<256x2048xf32>
      tpu.vector_store %arg6[%swap3A, %swap3A_24], %add3A {strides = array<i32>} : memref<256x2048xf32, #tpu.memory_space<vmem>>, vector<256x2048xf32>,
    } else {
    }
    %eq3A_16 = arith.constant 8 : i32
    %eq3A_17 = arith.cmpi eq, %arg1, %eq3A_16 : i32
    %convert_element_type3A_18 = arith.extui %eq3A_17 : i1 to i32
    %cond3A_19 = arith.constant 0 : i32
    %cond3A_20 = arith.cmpi ne, %convert_element_type3A_18, %cond3A_19 : i32
    scf.if %cond3A_20 {
      %get3A_21 = arith.constant 0 : index
      %get3A_22 = arith.constant 0 : index
      %get3A_23 = vector.load %arg6[%get3A_21, %get3A_22] : memref<256x2048xf32, #tpu.memory_space<vmem>>, vector<256x2048xf32>
      %get3A_24 = arith.constant 0 : index
      %get3A_25 = arith.constant 0 : index
      %get3A_26 = vector.load %arg4[%get3A_24, %get3A_25] : memref<256x1xf32, #tpu.memory_space<vmem>>, vector<256x1xf32>
      %mul3A = vector.broadcast %get3A_26 : vector<256x1xf32> to vector<256x2048xf32>
      %mul3A_27 = arith.mulf %get3A_23, %mul3A : vector<256x2048xf32>
      %get3A_28 = arith.constant 0 : index
      %get3A_29 = arith.constant 0 : index
      %get3A_30 = vector.load %arg5[%get3A_28, %get3A_29] : memref<256x1xf32, #tpu.memory_space<vmem>>, vector<256x1xf32>
      %add3A = vector.broadcast %get3A_30 : vector<256x1xf32> to vector<256x2048xf32>
      %add3A_31 = arith.addf %mul3A_27, %add3A : vector<256x2048xf32>
      %max3A = arith.constant 0.000000e+00 : f32
      %max3A_32 = vector.broadcast %max3A : f32 to vector<256x2048xf32>
      %max3A_33 = arith.maximumf %add3A_31, %max3A_32 : vector<256x2048xf32>
      %swap3A = arith.constant 0 : index
      %swap3A_34 = arith.constant 0 : index
      %swap3A_35 = vector.load %arg6[%swap3A, %swap3A_34] : memref<256x2048xf32, #tpu.memory_space<vmem>>, vector<256x2048xf32>
      tpu.vector_store %arg6[%swap3A, %swap3A_34], %max3A_33 {strides = array<i32>} : memref<256x2048xf32, #tpu.memory_space<vmem>>, vector<256x2048xf32>,
    } else {
    }
    return
  }
  func.func @transform_0(%arg0: i32, %arg1: i32) -> (i32, i32, i32) {
    %c0_i32 = arith.constant 0 : i32
    %c0_i32_0 = arith.constant 0 : i32
    return %arg1, %c0_i32, %arg0 : i32, i32, i32
  }
  func.func @transform_1(%arg0: i32, %arg1: i32) -> (i32, i32, i32) {
    %c0_i32 = arith.constant 0 : i32
    %c0_i32_0 = arith.constant 0 : i32
    %c0_i32_1 = arith.constant 0 : i32
    return %arg1, %c0_i32, %c0_i32_0 : i32, i32, i32
  }
  func.func @transform_2(%arg0: i32, %arg1: i32) -> (i32, i32) {
    %c0_i32 = arith.constant 0 : i32
    %c0_i32_0 = arith.constant 0 : i32
    %c0_i32_1 = arith.constant 0 : i32
    return %c0_i32, %c0_i32_0 : i32, i32
  }
  func.func @transform_3(%arg0: i32, %arg1: i32) -> (i32, i32) {
    %c0_i32 = arith.constant 0 : i32
    %c0_i32_0 = arith.constant 0 : i32
    %c0_i32_1 = arith.constant 0 : i32
    return %c0_i32, %c0_i32_0 : i32, i32
  }
  func.func @transform_4(%arg0: i32, %arg1: i32) -> (i32, i32) {
    %c0_i32 = arith.constant 0 : i32
    %c0_i32_0 = arith.constant 0 : i32
    return %c0_i32, %arg0 : i32, i32
  }
}

module attributes {stable_mosaic.version = 14 : i64} {
  func.func @body(%arg0: i32, %arg1: i32, %arg2: memref<1x256x2560xf32, #tpu.memory_space<vmem>>, %arg3: memref<1x256x256xf32, #tpu.memory_space<vmem>>, %arg4: memref<256x1xf32, #tpu.memory_space<vmem>>, %arg5: memref<256x1xf32, #tpu.memory_space<vmem>>, %arg6: memref<256x2560xf32, #tpu.memory_space<vmem>>) attributes {dimension_semantics = [#tpu.dimension_semantics<arbitrary>, #tpu.dimension_semantics<arbitrary>], iteration_bounds = array<i64: 1, 9>, scalar_prefetch = 0 : i64, scratch_operands = 0 : i64, tpu.core_type = #tpu.core_type<tc>, window_params = [{transform_indices = @transform_0, window_bounds = array<i64: 1, 256, 2560>}, {transform_indices = @transform_1, window_bounds = array<i64: 1, 256, 256>}, {pipeline_mode = #tpu.pipeline_mode<synchronous>, transform_indices = @transform_2, window_bounds = array<i64: 256, 1>}, {pipeline_mode = #tpu.pipeline_mode<synchronous>, transform_indices = @transform_3, window_bounds = array<i64: 256, 1>}, {transform_indices = @transform_4, window_bounds = array<i64: 256, 2560>}]} {
    %get3A = arith.constant 0 : index
    %get3A_0 = arith.constant 0 : index
    %get3A_1 = arith.constant 0 : index
    %get3A_2 = vector.load %arg3[%get3A, %get3A_0, %get3A_1] : memref<1x256x256xf32, #tpu.memory_space<vmem>>, vector<1x256x256xf32>
    %get3A_3 = vector.shape_cast %get3A_2 : vector<1x256x256xf32> to vector<256x256xf32>
    %get3A_4 = arith.constant 0 : index
    %get3A_5 = arith.constant 0 : index
    %get3A_6 = arith.constant 0 : index
    %get3A_7 = vector.load %arg2[%get3A_4, %get3A_5, %get3A_6] : memref<1x256x2560xf32, #tpu.memory_space<vmem>>, vector<1x256x2560xf32>
    %get3A_8 = vector.shape_cast %get3A_7 : vector<1x256x2560xf32> to vector<256x2560xf32>
    %dot_general3A = arith.constant dense<0.000000e+00> : vector<256x2560xf32>
    %dot_general3A_9 = tpu.matmul %get3A_3, %get3A_8, %dot_general3A {dimension_numbers = #tpu.dot_dimension_numbers<[1], [0], [0], [1], [0, 0, 1, 1], [], []>, transpose_lhs_hint = false} : vector<256x256xf32>, vector<256x2560xf32>, vector<256x2560xf32> -> vector<256x2560xf32>
    %eq3A = arith.constant 0 : i32
    %eq3A_10 = arith.cmpi eq, %arg1, %eq3A : i32
    %convert_element_type3A = arith.extui %eq3A_10 : i1 to i32
    %cond3A = arith.constant 0 : i32
    %cond3A_11 = arith.cmpi ne, %convert_element_type3A, %cond3A : i32
    scf.if %cond3A_11 {
      %swap3A = arith.constant 0 : index
      %swap3A_21 = arith.constant 0 : index
      %swap3A_22 = vector.load %arg6[%swap3A, %swap3A_21] : memref<256x2560xf32, #tpu.memory_space<vmem>>, vector<256x2560xf32>
      tpu.vector_store %arg6[%swap3A, %swap3A_21], %dot_general3A_9 {strides = array<i32>} : memref<256x2560xf32, #tpu.memory_space<vmem>>, vector<256x2560xf32>,
    } else {
    }
    %gt3A = arith.constant 0 : i32
    %gt3A_12 = arith.cmpi sgt, %arg1, %gt3A : i32
    %convert_element_type3A_13 = arith.extui %gt3A_12 : i1 to i32
    %cond3A_14 = arith.constant 0 : i32
    %cond3A_15 = arith.cmpi ne, %convert_element_type3A_13, %cond3A_14 : i32
    scf.if %cond3A_15 {
      %get3A_21 = arith.constant 0 : index
      %get3A_22 = arith.constant 0 : index
      %get3A_23 = vector.load %arg6[%get3A_21, %get3A_22] : memref<256x2560xf32, #tpu.memory_space<vmem>>, vector<256x2560xf32>
      %add3A = arith.addf %get3A_23, %dot_general3A_9 : vector<256x2560xf32>
      %swap3A = arith.constant 0 : index
      %swap3A_24 = arith.constant 0 : index
      %swap3A_25 = vector.load %arg6[%swap3A, %swap3A_24] : memref<256x2560xf32, #tpu.memory_space<vmem>>, vector<256x2560xf32>
      tpu.vector_store %arg6[%swap3A, %swap3A_24], %add3A {strides = array<i32>} : memref<256x2560xf32, #tpu.memory_space<vmem>>, vector<256x2560xf32>,
    } else {
    }
    %eq3A_16 = arith.constant 8 : i32
    %eq3A_17 = arith.cmpi eq, %arg1, %eq3A_16 : i32
    %convert_element_type3A_18 = arith.extui %eq3A_17 : i1 to i32
    %cond3A_19 = arith.constant 0 : i32
    %cond3A_20 = arith.cmpi ne, %convert_element_type3A_18, %cond3A_19 : i32
    scf.if %cond3A_20 {
      %get3A_21 = arith.constant 0 : index
      %get3A_22 = arith.constant 0 : index
      %get3A_23 = vector.load %arg6[%get3A_21, %get3A_22] : memref<256x2560xf32, #tpu.memory_space<vmem>>, vector<256x2560xf32>
      %get3A_24 = arith.constant 0 : index
      %get3A_25 = arith.constant 0 : index
      %get3A_26 = vector.load %arg4[%get3A_24, %get3A_25] : memref<256x1xf32, #tpu.memory_space<vmem>>, vector<256x1xf32>
      %mul3A = vector.broadcast %get3A_26 : vector<256x1xf32> to vector<256x2560xf32>
      %mul3A_27 = arith.mulf %get3A_23, %mul3A : vector<256x2560xf32>
      %get3A_28 = arith.constant 0 : index
      %get3A_29 = arith.constant 0 : index
      %get3A_30 = vector.load %arg5[%get3A_28, %get3A_29] : memref<256x1xf32, #tpu.memory_space<vmem>>, vector<256x1xf32>
      %add3A = vector.broadcast %get3A_30 : vector<256x1xf32> to vector<256x2560xf32>
      %add3A_31 = arith.addf %mul3A_27, %add3A : vector<256x2560xf32>
      %max3A = arith.constant 0.000000e+00 : f32
      %max3A_32 = vector.broadcast %max3A : f32 to vector<256x2560xf32>
      %max3A_33 = arith.maximumf %add3A_31, %max3A_32 : vector<256x2560xf32>
      %swap3A = arith.constant 0 : index
      %swap3A_34 = arith.constant 0 : index
      %swap3A_35 = vector.load %arg6[%swap3A, %swap3A_34] : memref<256x2560xf32, #tpu.memory_space<vmem>>, vector<256x2560xf32>
      tpu.vector_store %arg6[%swap3A, %swap3A_34], %max3A_33 {strides = array<i32>} : memref<256x2560xf32, #tpu.memory_space<vmem>>, vector<256x2560xf32>,
    } else {
    }
    return
  }
  func.func @transform_0(%arg0: i32, %arg1: i32) -> (i32, i32, i32) {
    %c0_i32 = arith.constant 0 : i32
    %c0_i32_0 = arith.constant 0 : i32
    return %arg1, %c0_i32, %arg0 : i32, i32, i32
  }
  func.func @transform_1(%arg0: i32, %arg1: i32) -> (i32, i32, i32) {
    %c0_i32 = arith.constant 0 : i32
    %c0_i32_0 = arith.constant 0 : i32
    %c0_i32_1 = arith.constant 0 : i32
    return %arg1, %c0_i32, %c0_i32_0 : i32, i32, i32
  }
  func.func @transform_2(%arg0: i32, %arg1: i32) -> (i32, i32) {
    %c0_i32 = arith.constant 0 : i32
    %c0_i32_0 = arith.constant 0 : i32
    %c0_i32_1 = arith.constant 0 : i32
    return %c0_i32, %c0_i32_0 : i32, i32
  }
  func.func @transform_3(%arg0: i32, %arg1: i32) -> (i32, i32) {
    %c0_i32 = arith.constant 0 : i32
    %c0_i32_0 = arith.constant 0 : i32
    %c0_i32_1 = arith.constant 0 : i32
    return %c0_i32, %c0_i32_0 : i32, i32
  }
  func.func @transform_4(%arg0: i32, %arg1: i32) -> (i32, i32) {
    %c0_i32 = arith.constant 0 : i32
    %c0_i32_0 = arith.constant 0 : i32
    return %c0_i32, %arg0 : i32, i32
  }
}

module attributes {stable_mosaic.version = 14 : i64} {
  func.func @body(%arg0: i32, %arg1: i32, %arg2: memref<1x256x640xf32, #tpu.memory_space<vmem>>, %arg3: memref<1x256x256xf32, #tpu.memory_space<vmem>>, %arg4: memref<256x1xf32, #tpu.memory_space<vmem>>, %arg5: memref<256x1xf32, #tpu.memory_space<vmem>>, %arg6: memref<256x640xf32, #tpu.memory_space<vmem>>) attributes {dimension_semantics = [#tpu.dimension_semantics<arbitrary>, #tpu.dimension_semantics<arbitrary>], iteration_bounds = array<i64: 1, 9>, scalar_prefetch = 0 : i64, scratch_operands = 0 : i64, tpu.core_type = #tpu.core_type<tc>, window_params = [{transform_indices = @transform_0, window_bounds = array<i64: 1, 256, 640>}, {transform_indices = @transform_1, window_bounds = array<i64: 1, 256, 256>}, {pipeline_mode = #tpu.pipeline_mode<synchronous>, transform_indices = @transform_2, window_bounds = array<i64: 256, 1>}, {pipeline_mode = #tpu.pipeline_mode<synchronous>, transform_indices = @transform_3, window_bounds = array<i64: 256, 1>}, {transform_indices = @transform_4, window_bounds = array<i64: 256, 640>}]} {
    %get3A = arith.constant 0 : index
    %get3A_0 = arith.constant 0 : index
    %get3A_1 = arith.constant 0 : index
    %get3A_2 = vector.load %arg3[%get3A, %get3A_0, %get3A_1] : memref<1x256x256xf32, #tpu.memory_space<vmem>>, vector<1x256x256xf32>
    %get3A_3 = vector.shape_cast %get3A_2 : vector<1x256x256xf32> to vector<256x256xf32>
    %get3A_4 = arith.constant 0 : index
    %get3A_5 = arith.constant 0 : index
    %get3A_6 = arith.constant 0 : index
    %get3A_7 = vector.load %arg2[%get3A_4, %get3A_5, %get3A_6] : memref<1x256x640xf32, #tpu.memory_space<vmem>>, vector<1x256x640xf32>
    %get3A_8 = vector.shape_cast %get3A_7 : vector<1x256x640xf32> to vector<256x640xf32>
    %dot_general3A = arith.constant dense<0.000000e+00> : vector<256x640xf32>
    %dot_general3A_9 = tpu.matmul %get3A_3, %get3A_8, %dot_general3A {dimension_numbers = #tpu.dot_dimension_numbers<[1], [0], [0], [1], [0, 0, 1, 1], [], []>, transpose_lhs_hint = false} : vector<256x256xf32>, vector<256x640xf32>, vector<256x640xf32> -> vector<256x640xf32>
    %eq3A = arith.constant 0 : i32
    %eq3A_10 = arith.cmpi eq, %arg1, %eq3A : i32
    %convert_element_type3A = arith.extui %eq3A_10 : i1 to i32
    %cond3A = arith.constant 0 : i32
    %cond3A_11 = arith.cmpi ne, %convert_element_type3A, %cond3A : i32
    scf.if %cond3A_11 {
      %swap3A = arith.constant 0 : index
      %swap3A_21 = arith.constant 0 : index
      %swap3A_22 = vector.load %arg6[%swap3A, %swap3A_21] : memref<256x640xf32, #tpu.memory_space<vmem>>, vector<256x640xf32>
      tpu.vector_store %arg6[%swap3A, %swap3A_21], %dot_general3A_9 {strides = array<i32>} : memref<256x640xf32, #tpu.memory_space<vmem>>, vector<256x640xf32>,
    } else {
    }
    %gt3A = arith.constant 0 : i32
    %gt3A_12 = arith.cmpi sgt, %arg1, %gt3A : i32
    %convert_element_type3A_13 = arith.extui %gt3A_12 : i1 to i32
    %cond3A_14 = arith.constant 0 : i32
    %cond3A_15 = arith.cmpi ne, %convert_element_type3A_13, %cond3A_14 : i32
    scf.if %cond3A_15 {
      %get3A_21 = arith.constant 0 : index
      %get3A_22 = arith.constant 0 : index
      %get3A_23 = vector.load %arg6[%get3A_21, %get3A_22] : memref<256x640xf32, #tpu.memory_space<vmem>>, vector<256x640xf32>
      %add3A = arith.addf %get3A_23, %dot_general3A_9 : vector<256x640xf32>
      %swap3A = arith.constant 0 : index
      %swap3A_24 = arith.constant 0 : index
      %swap3A_25 = vector.load %arg6[%swap3A, %swap3A_24] : memref<256x640xf32, #tpu.memory_space<vmem>>, vector<256x640xf32>
      tpu.vector_store %arg6[%swap3A, %swap3A_24], %add3A {strides = array<i32>} : memref<256x640xf32, #tpu.memory_space<vmem>>, vector<256x640xf32>,
    } else {
    }
    %eq3A_16 = arith.constant 8 : i32
    %eq3A_17 = arith.cmpi eq, %arg1, %eq3A_16 : i32
    %convert_element_type3A_18 = arith.extui %eq3A_17 : i1 to i32
    %cond3A_19 = arith.constant 0 : i32
    %cond3A_20 = arith.cmpi ne, %convert_element_type3A_18, %cond3A_19 : i32
    scf.if %cond3A_20 {
      %get3A_21 = arith.constant 0 : index
      %get3A_22 = arith.constant 0 : index
      %get3A_23 = vector.load %arg6[%get3A_21, %get3A_22] : memref<256x640xf32, #tpu.memory_space<vmem>>, vector<256x640xf32>
      %get3A_24 = arith.constant 0 : index
      %get3A_25 = arith.constant 0 : index
      %get3A_26 = vector.load %arg4[%get3A_24, %get3A_25] : memref<256x1xf32, #tpu.memory_space<vmem>>, vector<256x1xf32>
      %mul3A = vector.broadcast %get3A_26 : vector<256x1xf32> to vector<256x640xf32>
      %mul3A_27 = arith.mulf %get3A_23, %mul3A : vector<256x640xf32>
      %get3A_28 = arith.constant 0 : index
      %get3A_29 = arith.constant 0 : index
      %get3A_30 = vector.load %arg5[%get3A_28, %get3A_29] : memref<256x1xf32, #tpu.memory_space<vmem>>, vector<256x1xf32>
      %add3A = vector.broadcast %get3A_30 : vector<256x1xf32> to vector<256x640xf32>
      %add3A_31 = arith.addf %mul3A_27, %add3A : vector<256x640xf32>
      %max3A = arith.constant 0.000000e+00 : f32
      %max3A_32 = vector.broadcast %max3A : f32 to vector<256x640xf32>
      %max3A_33 = arith.maximumf %add3A_31, %max3A_32 : vector<256x640xf32>
      %swap3A = arith.constant 0 : index
      %swap3A_34 = arith.constant 0 : index
      %swap3A_35 = vector.load %arg6[%swap3A, %swap3A_34] : memref<256x640xf32, #tpu.memory_space<vmem>>, vector<256x640xf32>
      tpu.vector_store %arg6[%swap3A, %swap3A_34], %max3A_33 {strides = array<i32>} : memref<256x640xf32, #tpu.memory_space<vmem>>, vector<256x640xf32>,
    } else {
    }
    return
  }
  func.func @transform_0(%arg0: i32, %arg1: i32) -> (i32, i32, i32) {
    %c0_i32 = arith.constant 0 : i32
    %c0_i32_0 = arith.constant 0 : i32
    return %arg1, %c0_i32, %arg0 : i32, i32, i32
  }
  func.func @transform_1(%arg0: i32, %arg1: i32) -> (i32, i32, i32) {
    %c0_i32 = arith.constant 0 : i32
    %c0_i32_0 = arith.constant 0 : i32
    %c0_i32_1 = arith.constant 0 : i32
    return %arg1, %c0_i32, %c0_i32_0 : i32, i32, i32
  }
  func.func @transform_2(%arg0: i32, %arg1: i32) -> (i32, i32) {
    %c0_i32 = arith.constant 0 : i32
    %c0_i32_0 = arith.constant 0 : i32
    %c0_i32_1 = arith.constant 0 : i32
    return %c0_i32, %c0_i32_0 : i32, i32
  }
  func.func @transform_3(%arg0: i32, %arg1: i32) -> (i32, i32) {
    %c0_i32 = arith.constant 0 : i32
    %c0_i32_0 = arith.constant 0 : i32
    %c0_i32_1 = arith.constant 0 : i32
    return %c0_i32, %c0_i32_0 : i32, i32
  }
  func.func @transform_4(%arg0: i32, %arg1: i32) -> (i32, i32) {
    %c0_i32 = arith.constant 0 : i32
    %c0_i32_0 = arith.constant 0 : i32
    return %c0_i32, %arg0 : i32, i32
  }
}

</mosaic_0001>

<sc_bundles>
// kernel: kernel.13.cloned.1.call-start
scs
__scs_entry_jumppad:
0x0: {  	(pc) =	sbr.rel $0x88, $3  }
0x1: {  	(tag) =	ssettag $0x0;
	lr =	simm.s32 $0x1  }
0x2: {  	[smem:$0x3F83] =	sst lr;
	_ =	strace $0xD0000000  }
0x3: {  	_ = 	snop  }
0x4: {  	_ = 	snop  }
0x5: {  	_ = 	snop  }
0x6: {  	_ = 	snop  }
0x7: {  	_ = 	snop  }
__scs_overlays_trampoline_lowered:
0x8: {  	[smem:$0x3F92] =	sst s0  }
0x9: {  	[smem:$0x3F93] =	sst s1  }
0xa: {  	[smem:$0x3F94] =	sst s2  }
0xb: {  	[smem:$0x3F95] =	sst s3  }
0xc: {  	[smem:$0x3F96] =	sst s4  }
0xd: {  	[smem:$0x3F97] =	sst s5  }
0xe: {  	[smem:$0x3F98] =	sst s6  }
0xf: {  	[smem:$0x3F99] =	sst s7  }
0x10: {  	[smem:$0x3F9A] =	sst s8  }
0x11: {  	[smem:$0x3F9B] =	sst s9;
	s0 =	simm.s32 @!p0 $0x0  }
0x12: {  	s1 =	sld [smem:$0x3F81];
	s0 =	simm.s32 @p0 $0x1  }
0x13: {  	[smem:$0x3F9C] =	sst s0;
	s0 =	simm.s32 @!p1 $0x0  }
0x14: {  	s2 =	sld [smem:$0x3F80];
	s0 =	simm.s32 @p1 $0x1  }
0x15: {  	[smem:$0x3F9D] =	sst s0;
	s0 =	simm.s32 @!p2 $0x0  }
0x16: {  	s3 =	sld [smem:$0x3FDB];
	s0 =	simm.s32 @p2 $0x1  }
0x17: {  	s4 =	simm.s32 $0x1BF5;
	[smem:$0x3F9F] =	sst s0  }
0x18: {  	s0 =	sld [smem:$0x3F82];
	_ =	swait.ge [sflag:s4], $0x0  }
0x19: {  	s7 =	sld [smem:$0x3F83]  }
0x1a: {  	s8 =	sadd.s32 $0xFFFFE003, lr  }
0x1b: {  	s9 =	sadd.s32 $0xFFFFFEF7, lr;
	s5 =	simm.s32 $0xFFFFFFFF;
	p2 =	slt.u32 s8, $0xFFFFF086  }
0x1c: {  	p1 =	slt.u32 s9, $0xF7A;
	s5 =	simm.s32 @!p2 $0x0  }
0x1d: {  	s5 =	simm.s32 @p1 $0x1;
	p0 =	seq.s32 s7, s2  }
0x1e: {  	s7 =	smul.u32 @!p0 $0xF7A, s2;
	p2 =	seq.s32 @!p0 s5, $0x0  }
0x1f: {  	s9 =	smul.u32 $0xF7A, s1;
	s8 =	simm.s32 @!p0 $0x1BF5;
	p2 =	por !p2, p0  }
0x20: {  	[sflag:s8] =	ssyncset.s32 @!p0 $0xFFFFF086;
	s6 =	sadd.s32 @!p0 s3, s7;
	s7 =	simm.s32 @!p0 $0x108  }
0x21: {  	s3 =	sadd.s32 s3, s9;
	s6 =	sadd.s32 @!p0 $0x88, s6;
	s7 =	simm.s32 @p2 $0x1082  }
0x22: {  	[simem:s7], [sflag:s8] =	dma.local @!p0 [hbm:s6], $0xF7A  }
0x23: {  	s9 =	sor.u32 $0xD0000000, s2;
	s6 =	simm.s32 $0x108;
	_ =	swait.ge @!p0 [sflag:s8], $0x0  }
0x24: {  	s3 =	sadd.s32 $0x88, s3;
	s6 =	simm.s32 @!p1 $0x1082;
	[sflag:s4] =	ssyncset.s32 $0xFFFFF086  }
0x25: {  	[simem:s6], [sflag:s4] =	dma.local [hbm:s3], $0xF7A  }
0x26: {  	[smem:$0x3F83] =	sst s1;
	(tag) =	ssettag s2;
	_ =	strace s9  }
0x27: {  	s1 =	sld [smem:$0x3F93]  }
0x28: {  	s2 =	sld [smem:$0x3F94]  }
0x29: {  	s4 =	sld [smem:$0x3F96]  }
0x2a: {  	p0 =	seq.s32 s5, $0x0;
	s5 =	sld [smem:$0x3F97]  }
0x2b: {  	s6 =	sld [smem:$0x3F98]  }
0x2c: {  	s7 =	sld [smem:$0x3F99]  }
0x2d: {  	s3 =	simm.s32 $0x108;
	s8 =	sld [smem:$0x3F9A]  }
0x2e: {  	s3 =	simm.s32 @!p0 $0x1082;
	s9 =	sld [smem:$0x3F9B]  }
0x2f: {  	lr =	sadd.s32 s0, s3;
	s0 =	sld [smem:$0x3F92]  }
0x30: {  	s3 =	sld [smem:$0x3F95]  }
0x31: {  	[smem:$0x3F9E] =	sst s10  }
0x32: {  	s10 =	sld [smem:$0x3F9C];
	_ =	sdelay $0x3  }
0x33: {  	p0 =	seq.s32 s10, $0x1;
	s10 =	sld [smem:$0x3F9E];
	_ =	sdelay $0x3  }
0x34: {  	[smem:$0x3F9E] =	sst s10  }
0x35: {  	s10 =	sld [smem:$0x3F9D];
	_ =	sdelay $0x3  }
0x36: {  	p1 =	seq.s32 s10, $0x1;
	s10 =	sld [smem:$0x3F9E];
	_ =	sdelay $0x3  }
0x37: {  	[smem:$0x3F9E] =	sst s10  }
0x38: {  	s10 =	sld [smem:$0x3F9F]  }
0x39: {  	_ = 	snop;
	(pc) =	sbr.ind lr, $3  }
0x3a: {  	_ = 	snop  }
0x3b: {  	_ = 	snop  }
0x3c: {  	p2 =	seq.s32 s10, $0x1;
	s10 =	sld [smem:$0x3F9E]  }
0x3d: {  	_ =	shalt  }
0x3e: {  	_ =	shalt  }
0x3f: {  	_ =	shalt  }
0x40: {  	_ =	shalt  }
0x41: {  	_ =	shalt  }
0x42: {  	_ =	shalt  }
0x43: {  	_ =	shalt  }
0x44: {  	_ =	shalt  }
0x45: {  	_ =	shalt  }
0x46: {  	_ =	shalt  }
0x47: {  	_ =	shalt  }
0x48: {  	_ =	shalt  }
0x49: {  	_ =	shalt  }
0x4a: {  	_ =	shalt  }
0x4b: {  	_ =	shalt  }
0x4c: {  	_ =	shalt  }
0x4d: {  	_ =	shalt  }
0x4e: {  	_ =	shalt  }
0x4f: {  	_ =	shalt  }
0x50: {  	_ =	shalt  }
0x51: {  	_ =	shalt  }
0x52: {  	_ =	shalt  }
0x53: {  	_ =	shalt  }
0x54: {  	_ =	shalt  }
0x55: {  	_ =	shalt  }
0x56: {  	_ =	shalt  }
0x57: {  	_ =	shalt  }
0x58: {  	_ =	shalt  }
0x59: {  	_ =	shalt  }
0x5a: {  	_ =	shalt  }
0x5b: {  	_ =	shalt  }
0x5c: {  	_ =	shalt  }
0x5d: {  	_ =	shalt  }
0x5e: {  	_ =	shalt  }
0x5f: {  	_ =	shalt  }
0x60: {  	_ =	shalt  }
0x61: {  	_ =	shalt  }
0x62: {  	_ =	shalt  }
0x63: {  	_ =	shalt  }
0x64: {  	_ =	shalt  }
0x65: {  	_ =	shalt  }
0x66: {  	_ =	shalt  }
0x67: {  	_ =	shalt  }
0x68: {  	_ =	shalt  }
0x69: {  	_ =	shalt  }
0x6a: {  	_ =	shalt  }
0x6b: {  	_ =	shalt  }
0x6c: {  	_ =	shalt  }
0x6d: {  	_ =	shalt  }
0x6e: {  	_ =	shalt  }
0x6f: {  	_ =	shalt  }
0x70: {  	_ =	shalt  }
0x71: {  	_ =	shalt  }
0x72: {  	_ =	shalt  }
0x73: {  	_ =	shalt  }
0x74: {  	_ =	shalt  }
0x75: {  	_ =	shalt  }
0x76: {  	_ =	shalt  }
0x77: {  	_ =	shalt  }
0x78: {  	_ =	shalt  }
0x79: {  	_ =	shalt  }
0x7a: {  	_ =	shalt  }
0x7b: {  	_ =	shalt  }
0x7c: {  	_ =	shalt  }
0x7d: {  	_ =	shalt  }
0x7e: {  	_ =	shalt  }
0x7f: {  	_ =	shalt  }
0x80: {  	_ =	shalt  }
0x81: {  	_ =	shalt  }
0x82: {  	_ =	shalt  }
0x83: {  	_ =	shalt  }
0x84: {  	_ =	shalt  }
0x85: {  	_ =	shalt  }
0x86: {  	_ =	shalt  }
0x87: {  	_ =	shalt  }
.Lfunc_end0:
.L_simem_size_0:
called_computation_lowered:
.L_overlay_start_0:
0x88: {  	s2 =	sld [smem:$0x3FD9]  }
0x89: {  	s3 =	sld [smem:$0x3FFE];
	_ =	sdelay $0x1  }
0x8a: {  	s1 =	srdreg.scid  }
0x8b: {  	s0 =	sand.u32 $0x1, s1  }
0x8c: {  	s16 =	sshll.u32 s0, $0xA;
	s2 =	sadd.s32 s3, s2  }
0x8d: {  	s2 =	sadd.s32 s2, s16  }
0x8e: {  	[smem:$0x3FAA] =	sst s2  }
0x8f: {  	_ = 	snop  }
0x90: {  	(tm) =	ssettm $0x1  }
0x91: {  	s17 =	sld [smem:$0x3FFB];
	_ =	sdelay $0x3  }
0x92: {  	_ =	strace s17  }
0x93: {  	s2 =	sld [smem:$0x3FFC];
	_ =	sdelay $0x3  }
0x94: {  	_ =	strace s2  }
0x95: {  	s2 =	sld [smem:$0x3FFD];
	_ =	sdelay $0x3  }
0x96: {  	_ =	strace s2  }
0x97: {  	_ =	strace $0x8FFFFFFF  }
0x98: {  	s18 =	sld [smem:$0x3FDB];
	_ =	sdelay $0x1  }
0x99: {  	s19 =	simm.s32 $_scs_section_size  }
0x9a: {  	s4 =	simm.s32 $_size__tile_overlayer_lowered;
	s5 =	simm.s32 $_tile_overlayer_lowered  }
0x9b: {  	s22 =	simm.s32 $0x1BFF;
	s21 =	sshll.u32 s5, $0x1;
	s2 =	sadd.s32 s19, s18  }
0x9c: {  	s6 =	simm.s32 $0x0;
	s20 =	sshll.u32 s4, $0x1;
	s4 =	sadd.s32 s21, s2  }
0x9d: {  	[timem:s6], [sflag:s22] =	dma.local [hbm:s4], s20  }
0x9e: {  	_ =	swait.ge [sflag:s22], s20  }
0x9f: {  	s3 =	ssub.s32 $0x0, s20;
	[sflag:s22] =	ssyncset.done $0x0  }
0xa0: {  	[sflag:s22] =	ssyncadd.s32 s3;
	_ =	sdelay $0x1  }
0xa1: {  	s23 =	simm.s32 $0x1B8B  }
0xa2: {  	_ =	swait.ge [sflag:s23], $0x1  }
0xa3: {  	[sflag:s23] =	ssyncset.done $0x0  }
0xa4: {  	s25 =	simm.s32 $0x1B8E;
	s24 =	sld [smem:$0x3FFE];
	[sflag:s23] =	ssyncadd.s32 $0xFFFFFFFF  }
0xa5: {  	s26 =	simm.s32 $execute0_lowered;
	[smem:$0x3FD2] =	sst s25  }
0xa6: {  	s4 =	sshll.u32 s26, $0x1;
	_ =	strace $0x80000046;
	[dreg:$0x1] =	wrdreg $0xFFFFFFFF  }
0xa7: {  	s28 =	simm.s32 $_size_execute0_lowered;
	s2 =	sadd.s32 s2, s4;
	[dreg:$0x0] =	wrdreg $0x0  }
0xa8: {  	s4 =	sshll.u32 s28, $0x1;
	[dreg:$0x2] =	wrdreg s2  }
0xa9: {  	[dreg:$0x3] =	wrdreg s4  }
0xaa: {  	[dreg:$0x4] =	wrdreg $0xC0  }
0xab: {  	_ =	task [dreg:s6], $0x5FFFF  }
0xac: {  	[dreg:$0x1] =	wrdreg $0xFFFFFFFF  }
0xad: {  	[dreg:$0x0] =	wrdreg $0x60  }
0xae: {  	[dreg:$0x2] =	wrdreg s24  }
0xaf: {  	[dreg:$0x3] =	wrdreg $0x9  }
0xb0: {  	_ =	task.clear_ibuf [dreg:s6], $0x4FFFF;
	_ =	strace $0x90000046  }
0xb1: {  	s29 =	simm.s32 $0x9;
	_ =	strace $0x80000048  }
0xb2: {  	_ =	swait.ge [sflag:s29], $0x1  }
0xb3: {  	[sflag:s29] =	ssyncadd.s32 $0xFFFFFFFF  }
0xb4: {  	_ =	strace $0x90000048  }
0xb5: {  	_ =	sfence  }
0xb6: {  	s30 =	sld [smem:$0x0];
	_ =	sdelay $0x2  }
0xb7: {  	s31 =	sshll.u32 s1, $0xD;
	s1 =	sshrl.u32 s1, $0x2  }
0xb8: {  	s3 =	sand.u32 $0x4000, s31;
	s1 =	sadd.s32 s1, s30  }
0xb9: {  	s0 =	sor.u32 s3, s0;
	s1 =	sshll.u32 s1, $0x11  }
0xba: {  	s0 =	sor.u32 s1, s0  }
0xbb: {  	s0 =	sadd.s32 $0x8F2B, s0  }
0xbc: {  	[sflag:s0] =	ssyncadd.remote.s32 $0x1  }
0xbd: {  	_ =	sfence.sel $0xFFFF  }
0xbe: {  	[dreg:$0x0] =	wrdreg $0xFFFFFFFF;
	(pc) =	sbr.abs _section_cstart, $3  }
0xbf: {  	[dreg:$0x1] =	wrdreg $0xFFFFFFFF  }
0xc0: {  	_ =	task.clear_ibuf [dreg:s6], $0x2FFFF;
	_ =	strace $0x9FFFFFFF  }
0xc1: {  	(tm) =	ssettm $0x7FFFFFFF  }
tec
execute0_lowered:
.L_overlay_start_1:
0x0: {  	(tag) =	ssettag $0x1  }
0x1: {  	s1 =	srdreg.scid  }
0x2: {  	s0 =	stileid.u32;
	s5 =	rddreg [dreg:$0x0]  }
0x3: {  	s9 =	simm.s32 $0x1;
	s10 =	simm.s32 $0x80;
	s11 =	simm.s32 $0x400  }
0x4: {  	s12 =	simm.s32 $0x0;
	s4 =	sand.u32 $0x1, s1;
	s2 =	sshll.u32 s0, $0x1  }
0x5: {  	s1 =	rddreg [dreg:$0x1];
	s3 =	sshrl.u32 s0, $0x2;
	s6 =	sor.u32 s4, s2  }
0x6: {  	s2 =	simm.s32 $0x0;
	s3 =	smul.u32 $0x9C800, s3;
	s7 =	sshll.u32 s6, $0x7  }
0x7: {  	s8 =	ssub.s32 $0x2, s4;
	s4 =	sadd.s32 $0x2AC00, s5;
	s7 =	sand.u32 $0x380, s7  }
0x8: {  	[smem:$0x7FF] =	sst s2;
	s31 =	sshrl.u32 s8, $0x1;
	s7 =	sor.u32 s3, s7  }
0x9: {  	_ =	strace $0x80000047;
	s8 =	ssub.s32 s8, s31;
	s7 =	sshrl.u32 s7, $0x3  }
0xa: {  	s3 =	sadd.s32 $0x4AAC00, s5;
	s7 =	sadd.s32 s7, s5;
	s5 =	smul.u32 $0x108000, s6  }
0xb: {  	v0 =	vimm.f32 $0.0e+00;
	s6 =	sadd.s32 $0x3B400, s7;
	s7 =	smax.u32 s8, $0x1;
	s8 =	simm.s32 $0x13900  }
.LBB2_1:
0xc: {  	s13 =	simm.s32 $0x40;
	s14 =	simm.s32 $0x0  }
.LBB2_2:
0xd: {  	p0 =	sne.s32 s13, $0x4E240;
	[tilespmem:s14+$0x0] =	vst v0;
	s14 =	smov.u32 s13;
	s13 =	sadd.s32 $0x40, s13  }
.Ltmp0:
0xe: {  	(pc) =	sbr.rel @p0 .LBB2_2-.Ltmp0, $2  }
0xf: {  	_ =	sdelay $0x2  }
0x10: {  	s14 =	sshra.s32 s14, $0x2  }
0x11: {  	[tilespmem:s14+$0x0] =	vst v0;
	s13 =	simm.s32 $0x0;
	s14 =	simm.s32 $0x0  }
.LBB2_4:
0x12: {  	s15 =	sshll.u32 s14, $0xC  }
0x13: {  	s15 =	sadd.s32 s5, s15  }
0x14: {  	s15 =	sshrl.u32 s15, $0x3  }
0x15: {  	s15 =	sadd.s32 s3, s15  }
0x16: {  	[tilespmem:s8], [sflag:$0x1] =	stream.linear.gather [hbm4b:s15+s13], $0x1000, $0x38;
	[tilespmem:$0x15100] =	vst v63  }
0x17: {  	_ =	swait.ge [sflag:s9], $0x1000  }
0x18: {  	s30 =	sshll.u32 s14, $0x8;
	[sflag:s9] =	ssyncset.done $0x0  }
0x19: {  	s16 =	sadd.s32 s4, s30;
	s15 =	simm.s32 $0x14900;
	[sflag:s9] =	ssyncadd.s32 $0xFFFFF000  }
0x1a: {  	[tilespmem:s15], [sflag:$0x1] =	stream.linear.gather [hbm4b:s16+s13], $0x800, $0x38;
	[tilespmem:$0x15100] =	vst v63  }
0x1b: {  	_ =	swait.ge [sflag:s9], $0x800  }
0x1c: {  	[sflag:s9] =	ssyncset.done $0x0  }
0x1d: {  	[sflag:s9] =	ssyncadd.s32 $0xFFFFF800  }
0x1e: {  	v1 =	vld [tilespmem:s15+$0x0];
	_ =	sdelay $0x2  }
0x1f: {  	s31 =	sand.u32 $0x70, s13;
	s17 =	sand.u32 $0xF00, s13  }
0x20: {  	s16 =	sor.u32 s31, s17  }
0x21: {  	v2 =	vshll.u32 v1, $0x1;
	v1 =	vld [tilespmem:s16+$0x13900];
	_ =	sdelay $0x4  }
0x22: {  	s17 =	sadd.s32 $0x13900, s16;
	[tilespmem:v2+s2+$0x0] =	vst.idx.add.f32.msk $0xffff, v1  }
0x23: {  	s16 =	simm.s32 $0x10;
	v2 =	vor.u32 $0x1, v2;
	v1 =	vld [tilespmem:s17+$0x80];
	s17 =	simm.s32 $0x0  }
.LBB2_5:
0x24: {  	_ =	sdelay $0x3  }
0x25: {  	p0 =	sne.s32 s16, $0x7F0;
	s17 =	sadd.s32 $0x20, s17;
	s15 =	sadd.s32 $0x10, s15;
	[tilespmem:v2+s2+$0x0] =	vst.idx.add.f32.msk $0xffff, v1  }
0x26: {  	s18 =	smov.u32 s16;
	s16 =	sadd.s32 $0x10, s16;
	v1 =	vld [tilespmem:s15+$0x0];
	_ =	sdelay $0x2  }
0x27: {  	s18 =	sand.u32 $0x70, s18;
	s19 =	sand.u32 $0xF00, s17  }
0x28: {  	s18 =	sor.u32 s18, s19  }
0x29: {  	v2 =	vshll.u32 v1, $0x1;
	v1 =	vld [tilespmem:s18+$0x13900];
	_ =	sdelay $0x1  }
.Ltmp1:
0x2a: {  	(pc) =	sbr.rel @p0 .LBB2_5-.Ltmp1, $3  }
0x2b: {  	_ =	sdelay $0x1  }
0x2c: {  	s18 =	sadd.s32 $0x13900, s18;
	[tilespmem:v2+s2+$0x0] =	vst.idx.add.f32.msk $0xffff, v1  }
0x2d: {  	v2 =	vor.u32 $0x1, v2;
	v1 =	vld [tilespmem:s18+$0x80]  }
0x2e: {  	s14 =	sadd.s32 $0x1, s14  }
0x2f: {  	p0 =	sne.s32 s14, $0x108  }
.Ltmp2:
0x30: {  	_ = 	snop;
	(pc) =	sbr.rel @p0 .LBB2_4-.Ltmp2, $2  }
0x31: {  	_ =	sdelay $0x2  }
0x32: {  	[tilespmem:v2+s2+$0x0] =	vst.idx.add.f32.msk $0xffff, v1  }
0x33: {  	s12 =	sadd.s32 $0x1, s12  }
0x34: {  	p0 =	sne.s32 s12, s7  }
.Ltmp3:
0x35: {  	_ = 	snop;
	(pc) =	sbr.rel @p0 .LBB2_1-.Ltmp3, $4  }
0x36: {  	[hbm4b:s6+s10] =	stream.strided.scatter [tilespmem:s2], [sflag:$0x1], $0x13900, s11, s10, $0x38;
	[tilespmem:$0x15100] =	vst v63  }
0x37: {  	_ =	swait.ge [sflag:s9], $0x13900  }
0x38: {  	[sflag:s9] =	ssyncset.done $0x0  }
0x39: {  	[sflag:s9] =	ssyncadd.s32 $0xFFFEC700  }
0x3a: {  	_ =	sfence.sel $0x180000  }
0x3b: {  	[bflag:$0x0] =	sbarrier.arrive $0xFFFF  }
0x3c: {  	p0 =	sne.s32 s0, $0x0;
	_ =	strace $0x90000047  }
0x3d: {  	s0 =	sadd.s32 @!p0 $0x100000, s1;
	[bflag:$0x2] =	sbarrier.arrive $0xFFFF  }
0x3e: {  	[sflag:s0] =	ssyncadd.tile.s32 @!p0 $0x1;
	_ =	shalt  }
.Lfunc_end2:
_tile_overlayer_lowered:
.L_overlay_start_2:
0x3f: {  	(tag) =	ssettag $0x2  }
0x40: {  	s0 =	rddreg [dreg:$0x0];
	s2 =	stileid.u32  }
0x41: {  	s1 =	rddreg [dreg:$0x1];
	p0 =	sne.s32 s2, $0x0  }
0x42: {  	s3 =	rddreg [dreg:$0x2];
	[bflag:$0x3] =	sbarrier.arrive $0xFFFF;
	s2 =	simm.s32 @!p0 $0x1C01  }
0x43: {  	[timem:s3], [sflag:s2] =	dma.local @!p0 [hbm:s0], s1  }
0x44: {  	s0 =	simm.s32 @!p0 $0x1  }
0x45: {  	_ =	swait.ge @!p0 [sflag:s0], s1  }
0x46: {  	s1 =	ssub.s32 @!p0 $0x0, s1;
	[sflag:s0] =	ssyncset.done @!p0 $0x0  }
0x47: {  	[sflag:s0] =	ssyncadd.s32 @!p0 s1  }
0x48: {  	[bflag:$0x3] =	sbarrier.arrive $0xFFFF  }
0x49: {  	_ =	shalt  }

</sc_bundles>
